<compile_context>
chip_gen: v7x
topology: tpu7x:2x2x1
jax: 0.10.2.dev20260603
libtpu: 0.0.44.dev20260713+nightly
codegen_flags: <defaults>
</compile_context>

<pallas_src>
import functools

import jax
import jax.numpy as jnp
from jax import lax
from jax.experimental import pallas as pl
from jax.experimental.pallas import tpu as pltpu
from jax.experimental.pallas import tpu_sc as plsc

_NUM_DIM = 64
_PAD_DIM = 128
_BATCH = 4096
_SEQ = 200

_info = plsc.get_sparse_core_info()
_NC, _NS = _info.num_cores, _info.num_subcores
_NW = _NC * _NS
_TOTAL = _BATCH * _SEQ
_ROWS_PER_W = _TOTAL // _NW
_CH = 128
_NCHUNK = _ROWS_PER_W // _CH
_PE2 = _SEQ + _CH - 8
_D = 8
_NG = _NCHUNK // _D


@functools.partial(
    pl.kernel,
    out_type=jax.ShapeDtypeStruct((_TOTAL, _PAD_DIM), jnp.float32),
    mesh=plsc.VectorSubcoreMesh(core_axis_name="c", subcore_axis_name="s"),
    scratch_types=[
        pltpu.VMEM_SHARED((_PE2, _NUM_DIM), jnp.float32),
        [pltpu.VMEM((_CH,), jnp.int32) for _ in range(_D)],
        [pltpu.VMEM((_CH, _NUM_DIM), jnp.float32) for _ in range(_D)],
        [pltpu.SemaphoreType.DMA for _ in range(_D)],
        [pltpu.SemaphoreType.DMA for _ in range(_D)],
        [pltpu.SemaphoreType.DMA for _ in range(_D)],
    ],
    compiler_params=pltpu.CompilerParams(use_tc_tiling_on_sc=False),
)
def _embed_sc(x_hbm, pe_hbm, table_hbm, out_hbm,
              pe_sh, idxs, bufs, sem_i, sem_p, sem_g):
    wid = lax.axis_index("s") * _NC + lax.axis_index("c")
    base = wid * _ROWS_PER_W

    @pl.when(lax.axis_index("s") == 0)
    def _():
        pltpu.sync_copy(pe_hbm, pe_sh)

    plsc.subcore_barrier()

    def fire_inputs(j, c):
        off = base + c * _CH
        r = (c * _CH) % _SEQ
        pltpu.async_copy(x_hbm.at[pl.ds(off, _CH)], idxs[j], sem_i[j])
        pltpu.async_copy(pe_sh.at[pl.ds(r, _CH)], bufs[j], sem_p[j])

    def wait_inputs(j, c):
        off = base + c * _CH
        r = (c * _CH) % _SEQ
        pltpu.make_async_copy(x_hbm.at[pl.ds(off, _CH)], idxs[j],
                              sem_i[j]).wait()
        pltpu.make_async_copy(pe_sh.at[pl.ds(r, _CH)], bufs[j],
                              sem_p[j]).wait()

    for j in range(_D):
        fire_inputs(j, j)

    def group(g, carry):
        for j in range(_D):
            c = g * _D + j
            wait_inputs(j, c)
            pltpu.async_copy(table_hbm.at[idxs[j]], bufs[j], sem_g[j],
                             add=True)
        for j in range(_D):
            c = g * _D + j
            off = base + c * _CH
            pltpu.make_async_copy(table_hbm.at[idxs[j]], bufs[j],
                                  sem_g[j]).wait()
            pltpu.async_copy(bufs[j],
                             out_hbm.at[pl.ds(off, _CH), pl.ds(0, _NUM_DIM)],
                             sem_g[j])
        for j in range(_D):
            c = g * _D + j
            off = base + c * _CH
            pltpu.make_async_copy(
                bufs[j], out_hbm.at[pl.ds(off, _CH), pl.ds(0, _NUM_DIM)],
                sem_g[j]).wait()
            cn = jnp.minimum((g + 1) * _D + j, _NCHUNK - 1)
            fire_inputs(j, cn)
        return carry

    lax.fori_loop(0, _NG, group, 0)

    for j in range(_D):
        wait_inputs(j, _NCHUNK - 1)


def kernel(x, table, pe):
    pe_rows = pe[0, :_SEQ]
    pe2 = jnp.concatenate([pe_rows, pe_rows[: _PE2 - _SEQ]], axis=0)
    out = _embed_sc(x.reshape(-1).astype(jnp.int32), pe2, table)
    return out[:, :_NUM_DIM].reshape(_BATCH, _SEQ, _NUM_DIM)

# --- scband reference (transcript-rebuilt; emitter-appended) ---
"""Pipeline reference for scband-embedding-6253472383427 (READ-ONLY COPY).

The authoritative reference and input builder live on the scoring server;
editing this copy changes nothing except your own understanding.
"""

import jax, jax.numpy as jnp
import numpy as np

VOCAB = 1000000
NUM_DIM = 64
MAX_LEN = 10000
BATCH = 4096
SEQ = 200


def _build_pe():
    pe = np.zeros((MAX_LEN, NUM_DIM), dtype=np.float32)
    pos = np.arange(MAX_LEN, dtype=np.float64)[:, None]
    i_even = np.arange(0, NUM_DIM, 2, dtype=np.float64)
    pe[:, 0::2] = np.sin(pos / (10000.0 ** (2.0 * i_even / NUM_DIM)))
    pe[:, 1::2] = np.cos(pos / (10000.0 ** (2.0 * (i_even + 1.0) / NUM_DIM)))
    return jnp.asarray(pe[None, :, :])  # [1, max_len, num_dim]


def setup_inputs(seed: int = 0) -> dict:
    key = jax.random.key(seed)
    k1, k2 = jax.random.split(key)
    x = jax.random.randint(k1, (BATCH, SEQ), 0, VOCAB, dtype=jnp.int64 if jax.config.jax_enable_x64 else jnp.int32)
    table = jax.random.normal(k2, (VOCAB, NUM_DIM), dtype=jnp.float32)
    pe = _build_pe()
    return {"x": x, "table": table, "pe": pe}


def reference(x, table, pe):
    num_words = x.shape[1]
    word_embedding = jnp.take(table, x, axis=0)  # [B, L, D]
    positional_encoding = pe[:, :num_words]       # [1, L, D]
    return word_embedding + positional_encoding

if __name__ == "__main__":
    import jax
    _d = setup_inputs()
    print(jax.jit(kernel)(*tuple(_d.values())))

</pallas_src>

<mosaic_0001>
#map = affine_map<(d0, d1) -> (0)>
#map1 = affine_map<(d0, d1) -> (0, 0)>
module attributes {stable_mosaic.version = 14 : i64} {
  func.func @_embed_sc(%arg0: i32, %arg1: i32, %arg2: memref<819200xi32, #tpu.memory_space<hbm>>, %arg3: memref<320x64xf32, #tpu.memory_space<hbm>>, %arg4: memref<1000000x64xf32, #tpu.memory_space<hbm>>, %arg5: memref<819200x128xf32, #tpu.memory_space<hbm>>, %arg6: memref<320x64xf32, #tpu.memory_space<vmem_shared>>, %arg7: memref<128xi32, #tpu.memory_space<vmem>>, %arg8: memref<128xi32, #tpu.memory_space<vmem>>, %arg9: memref<128xi32, #tpu.memory_space<vmem>>, %arg10: memref<128xi32, #tpu.memory_space<vmem>>, %arg11: memref<128xi32, #tpu.memory_space<vmem>>, %arg12: memref<128xi32, #tpu.memory_space<vmem>>, %arg13: memref<128xi32, #tpu.memory_space<vmem>>, %arg14: memref<128xi32, #tpu.memory_space<vmem>>, %arg15: memref<128x64xf32, #tpu.memory_space<vmem>>, %arg16: memref<128x64xf32, #tpu.memory_space<vmem>>, %arg17: memref<128x64xf32, #tpu.memory_space<vmem>>, %arg18: memref<128x64xf32, #tpu.memory_space<vmem>>, %arg19: memref<128x64xf32, #tpu.memory_space<vmem>>, %arg20: memref<128x64xf32, #tpu.memory_space<vmem>>, %arg21: memref<128x64xf32, #tpu.memory_space<vmem>>, %arg22: memref<128x64xf32, #tpu.memory_space<vmem>>, %arg23: memref<!tpu.dma_semaphore, #tpu.memory_space<semaphore_mem>>, %arg24: memref<!tpu.dma_semaphore, #tpu.memory_space<semaphore_mem>>, %arg25: memref<!tpu.dma_semaphore, #tpu.memory_space<semaphore_mem>>, %arg26: memref<!tpu.dma_semaphore, #tpu.memory_space<semaphore_mem>>, %arg27: memref<!tpu.dma_semaphore, #tpu.memory_space<semaphore_mem>>, %arg28: memref<!tpu.dma_semaphore, #tpu.memory_space<semaphore_mem>>, %arg29: memref<!tpu.dma_semaphore, #tpu.memory_space<semaphore_mem>>, %arg30: memref<!tpu.dma_semaphore, #tpu.memory_space<semaphore_mem>>, %arg31: memref<!tpu.dma_semaphore, #tpu.memory_space<semaphore_mem>>, %arg32: memref<!tpu.dma_semaphore, #tpu.memory_space<semaphore_mem>>, %arg33: memref<!tpu.dma_semaphore, #tpu.memory_space<semaphore_mem>>, %arg34: memref<!tpu.dma_semaphore, #tpu.memory_space<semaphore_mem>>, %arg35: memref<!tpu.dma_semaphore, #tpu.memory_space<semaphore_mem>>, %arg36: memref<!tpu.dma_semaphore, #tpu.memory_space<semaphore_mem>>, %arg37: memref<!tpu.dma_semaphore, #tpu.memory_space<semaphore_mem>>, %arg38: memref<!tpu.dma_semaphore, #tpu.memory_space<semaphore_mem>>, %arg39: memref<!tpu.dma_semaphore, #tpu.memory_space<semaphore_mem>>, %arg40: memref<!tpu.dma_semaphore, #tpu.memory_space<semaphore_mem>>, %arg41: memref<!tpu.dma_semaphore, #tpu.memory_space<semaphore_mem>>, %arg42: memref<!tpu.dma_semaphore, #tpu.memory_space<semaphore_mem>>, %arg43: memref<!tpu.dma_semaphore, #tpu.memory_space<semaphore_mem>>, %arg44: memref<!tpu.dma_semaphore, #tpu.memory_space<semaphore_mem>>, %arg45: memref<!tpu.dma_semaphore, #tpu.memory_space<semaphore_mem>>, %arg46: memref<!tpu.dma_semaphore, #tpu.memory_space<semaphore_mem>>) attributes {dimension_semantics = [#tpu.dimension_semantics<core_parallel>, #tpu.dimension_semantics<subcore_parallel>], iteration_bounds = array<i64: 2, 16>, scalar_prefetch = 0 : i64, scratch_operands = 41 : i64, tpu.core_type = #tpu.core_type<sc_vector_subcore>, window_params = [{transform_indices = #map}, {transform_indices = #map1}, {transform_indices = #map1}, {transform_indices = #map1}]} {
    %mul3A = arith.constant 2 : i32
    %mul3A_0 = arith.muli %arg1, %mul3A : i32
    %add3A = arith.addi %mul3A_0, %arg0 : i32
    %mul3A_1 = arith.constant 25600 : i32
    %mul3A_2 = arith.muli %add3A, %mul3A_1 : i32
    %eq3A = arith.constant 0 : i32
    %eq3A_3 = arith.cmpi eq, %arg1, %eq3A : i32
    %convert_element_type3A = arith.extui %eq3A_3 : i1 to i32
    %cond3A = arith.constant 0 : i32
    %cond3A_4 = arith.cmpi ne, %convert_element_type3A, %cond3A : i32
    scf.if %cond3A_4 {
      "tpu.region"() ({
        %run_scoped3A = tpu.sem_alloc : memref<!tpu.dma_semaphore, #tpu.memory_space<semaphore_mem>>
        tpu.enqueue_dma source(%arg3 : memref<320x64xf32, #tpu.memory_space<hbm>>) target(%arg6 : memref<320x64xf32, #tpu.memory_space<vmem_shared>>) target_semaphore(%run_scoped3A : memref<!tpu.dma_semaphore, #tpu.memory_space<semaphore_mem>>)
        tpu.wait_dma2 semaphore(%run_scoped3A : memref<!tpu.dma_semaphore, #tpu.memory_space<semaphore_mem>>) src(%arg3 : memref<320x64xf32, #tpu.memory_space<hbm>>) dst(%arg6 : memref<320x64xf32, #tpu.memory_space<vmem_shared>>)
        tpu.yield
      }) : () -> ()
    } else {
    }
    %barrier3A = arith.constant 0 : index
    tpu.barrier barrier_id(%barrier3A)
    %add3A_5 = arith.constant 0 : i32
    %add3A_6 = arith.addi %mul3A_2, %add3A_5 : i32
    %dma_start3A = tpu.memref_slice %arg2[%add3A_6] : memref<819200xi32, #tpu.memory_space<hbm>> -> memref<128xi32, #tpu.memory_space<hbm>>
    %dma_start3A_7 = tpu.memref_slice %arg2[%add3A_6] : memref<819200xi32, #tpu.memory_space<hbm>> -> memref<128xi32, #tpu.memory_space<hbm>>
    tpu.enqueue_dma source(%dma_start3A_7 : memref<128xi32, #tpu.memory_space<hbm>>) target(%arg7 : memref<128xi32, #tpu.memory_space<vmem>>) target_semaphore(%arg23 : memref<!tpu.dma_semaphore, #tpu.memory_space<semaphore_mem>>)
    %dma_start3A_8 = arith.constant 0 : i32
    %dma_start3A_9 = arith.constant 0 : i32
    %dma_start3A_10 = tpu.memref_slice %arg6[%dma_start3A_8, %dma_start3A_9] : memref<320x64xf32, #tpu.memory_space<vmem_shared>> -> memref<128x64xf32, #tpu.memory_space<vmem_shared>>
    %dma_start3A_11 = arith.constant 0 : i32
    %dma_start3A_12 = arith.constant 0 : i32
    %dma_start3A_13 = tpu.memref_slice %arg6[%dma_start3A_11, %dma_start3A_12] : memref<320x64xf32, #tpu.memory_space<vmem_shared>> -> memref<128x64xf32, #tpu.memory_space<vmem_shared>>
    tpu.enqueue_dma source(%dma_start3A_13 : memref<128x64xf32, #tpu.memory_space<vmem_shared>>) target(%arg15 : memref<128x64xf32, #tpu.memory_space<vmem>>) target_semaphore(%arg31 : memref<!tpu.dma_semaphore, #tpu.memory_space<semaphore_mem>>)
    %add3A_14 = arith.constant 128 : i32
    %add3A_15 = arith.addi %mul3A_2, %add3A_14 : i32
    %dma_start3A_16 = tpu.memref_slice %arg2[%add3A_15] : memref<819200xi32, #tpu.memory_space<hbm>> -> memref<128xi32, #tpu.memory_space<hbm>>
    %dma_start3A_17 = tpu.memref_slice %arg2[%add3A_15] : memref<819200xi32, #tpu.memory_space<hbm>> -> memref<128xi32, #tpu.memory_space<hbm>>
    tpu.enqueue_dma source(%dma_start3A_17 : memref<128xi32, #tpu.memory_space<hbm>>) target(%arg8 : memref<128xi32, #tpu.memory_space<vmem>>) target_semaphore(%arg24 : memref<!tpu.dma_semaphore, #tpu.memory_space<semaphore_mem>>)
    %dma_start3A_18 = arith.constant 128 : i32
    %dma_start3A_19 = arith.constant 0 : i32
    %dma_start3A_20 = tpu.memref_slice %arg6[%dma_start3A_18, %dma_start3A_19] : memref<320x64xf32, #tpu.memory_space<vmem_shared>> -> memref<128x64xf32, #tpu.memory_space<vmem_shared>>
    %dma_start3A_21 = arith.constant 128 : i32
    %dma_start3A_22 = arith.constant 0 : i32
    %dma_start3A_23 = tpu.memref_slice %arg6[%dma_start3A_21, %dma_start3A_22] : memref<320x64xf32, #tpu.memory_space<vmem_shared>> -> memref<128x64xf32, #tpu.memory_space<vmem_shared>>
    tpu.enqueue_dma source(%dma_start3A_23 : memref<128x64xf32, #tpu.memory_space<vmem_shared>>) target(%arg16 : memref<128x64xf32, #tpu.memory_space<vmem>>) target_semaphore(%arg32 : memref<!tpu.dma_semaphore, #tpu.memory_space<semaphore_mem>>)
    %add3A_24 = arith.constant 256 : i32
    %add3A_25 = arith.addi %mul3A_2, %add3A_24 : i32
    %dma_start3A_26 = tpu.memref_slice %arg2[%add3A_25] : memref<819200xi32, #tpu.memory_space<hbm>> -> memref<128xi32, #tpu.memory_space<hbm>>
    %dma_start3A_27 = tpu.memref_slice %arg2[%add3A_25] : memref<819200xi32, #tpu.memory_space<hbm>> -> memref<128xi32, #tpu.memory_space<hbm>>
    tpu.enqueue_dma source(%dma_start3A_27 : memref<128xi32, #tpu.memory_space<hbm>>) target(%arg9 : memref<128xi32, #tpu.memory_space<vmem>>) target_semaphore(%arg25 : memref<!tpu.dma_semaphore, #tpu.memory_space<semaphore_mem>>)
    %dma_start3A_28 = arith.constant 56 : i32
    %dma_start3A_29 = arith.constant 0 : i32
    %dma_start3A_30 = tpu.memref_slice %arg6[%dma_start3A_28, %dma_start3A_29] : memref<320x64xf32, #tpu.memory_space<vmem_shared>> -> memref<128x64xf32, #tpu.memory_space<vmem_shared>>
    %dma_start3A_31 = arith.constant 56 : i32
    %dma_start3A_32 = arith.constant 0 : i32
    %dma_start3A_33 = tpu.memref_slice %arg6[%dma_start3A_31, %dma_start3A_32] : memref<320x64xf32, #tpu.memory_space<vmem_shared>> -> memref<128x64xf32, #tpu.memory_space<vmem_shared>>
    tpu.enqueue_dma source(%dma_start3A_33 : memref<128x64xf32, #tpu.memory_space<vmem_shared>>) target(%arg17 : memref<128x64xf32, #tpu.memory_space<vmem>>) target_semaphore(%arg33 : memref<!tpu.dma_semaphore, #tpu.memory_space<semaphore_mem>>)
    %add3A_34 = arith.constant 384 : i32
    %add3A_35 = arith.addi %mul3A_2, %add3A_34 : i32
    %dma_start3A_36 = tpu.memref_slice %arg2[%add3A_35] : memref<819200xi32, #tpu.memory_space<hbm>> -> memref<128xi32, #tpu.memory_space<hbm>>
    %dma_start3A_37 = tpu.memref_slice %arg2[%add3A_35] : memref<819200xi32, #tpu.memory_space<hbm>> -> memref<128xi32, #tpu.memory_space<hbm>>
    tpu.enqueue_dma source(%dma_start3A_37 : memref<128xi32, #tpu.memory_space<hbm>>) target(%arg10 : memref<128xi32, #tpu.memory_space<vmem>>) target_semaphore(%arg26 : memref<!tpu.dma_semaphore, #tpu.memory_space<semaphore_mem>>)
    %dma_start3A_38 = arith.constant 184 : i32
    %dma_start3A_39 = arith.constant 0 : i32
    %dma_start3A_40 = tpu.memref_slice %arg6[%dma_start3A_38, %dma_start3A_39] : memref<320x64xf32, #tpu.memory_space<vmem_shared>> -> memref<128x64xf32, #tpu.memory_space<vmem_shared>>
    %dma_start3A_41 = arith.constant 184 : i32
    %dma_start3A_42 = arith.constant 0 : i32
    %dma_start3A_43 = tpu.memref_slice %arg6[%dma_start3A_41, %dma_start3A_42] : memref<320x64xf32, #tpu.memory_space<vmem_shared>> -> memref<128x64xf32, #tpu.memory_space<vmem_shared>>
    tpu.enqueue_dma source(%dma_start3A_43 : memref<128x64xf32, #tpu.memory_space<vmem_shared>>) target(%arg18 : memref<128x64xf32, #tpu.memory_space<vmem>>) target_semaphore(%arg34 : memref<!tpu.dma_semaphore, #tpu.memory_space<semaphore_mem>>)
    %add3A_44 = arith.constant 512 : i32
    %add3A_45 = arith.addi %mul3A_2, %add3A_44 : i32
    %dma_start3A_46 = tpu.memref_slice %arg2[%add3A_45] : memref<819200xi32, #tpu.memory_space<hbm>> -> memref<128xi32, #tpu.memory_space<hbm>>
    %dma_start3A_47 = tpu.memref_slice %arg2[%add3A_45] : memref<819200xi32, #tpu.memory_space<hbm>> -> memref<128xi32, #tpu.memory_space<hbm>>
    tpu.enqueue_dma source(%dma_start3A_47 : memref<128xi32, #tpu.memory_space<hbm>>) target(%arg11 : memref<128xi32, #tpu.memory_space<vmem>>) target_semaphore(%arg27 : memref<!tpu.dma_semaphore, #tpu.memory_space<semaphore_mem>>)
    %dma_start3A_48 = arith.constant 112 : i32
    %dma_start3A_49 = arith.constant 0 : i32
    %dma_start3A_50 = tpu.memref_slice %arg6[%dma_start3A_48, %dma_start3A_49] : memref<320x64xf32, #tpu.memory_space<vmem_shared>> -> memref<128x64xf32, #tpu.memory_space<vmem_shared>>
    %dma_start3A_51 = arith.constant 112 : i32
    %dma_start3A_52 = arith.constant 0 : i32
    %dma_start3A_53 = tpu.memref_slice %arg6[%dma_start3A_51, %dma_start3A_52] : memref<320x64xf32, #tpu.memory_space<vmem_shared>> -> memref<128x64xf32, #tpu.memory_space<vmem_shared>>
    tpu.enqueue_dma source(%dma_start3A_53 : memref<128x64xf32, #tpu.memory_space<vmem_shared>>) target(%arg19 : memref<128x64xf32, #tpu.memory_space<vmem>>) target_semaphore(%arg35 : memref<!tpu.dma_semaphore, #tpu.memory_space<semaphore_mem>>)
    %add3A_54 = arith.constant 640 : i32
    %add3A_55 = arith.addi %mul3A_2, %add3A_54 : i32
    %dma_start3A_56 = tpu.memref_slice %arg2[%add3A_55] : memref<819200xi32, #tpu.memory_space<hbm>> -> memref<128xi32, #tpu.memory_space<hbm>>
    %dma_start3A_57 = tpu.memref_slice %arg2[%add3A_55] : memref<819200xi32, #tpu.memory_space<hbm>> -> memref<128xi32, #tpu.memory_space<hbm>>
    tpu.enqueue_dma source(%dma_start3A_57 : memref<128xi32, #tpu.memory_space<hbm>>) target(%arg12 : memref<128xi32, #tpu.memory_space<vmem>>) target_semaphore(%arg28 : memref<!tpu.dma_semaphore, #tpu.memory_space<semaphore_mem>>)
    %dma_start3A_58 = arith.constant 40 : i32
    %dma_start3A_59 = arith.constant 0 : i32
    %dma_start3A_60 = tpu.memref_slice %arg6[%dma_start3A_58, %dma_start3A_59] : memref<320x64xf32, #tpu.memory_space<vmem_shared>> -> memref<128x64xf32, #tpu.memory_space<vmem_shared>>
    %dma_start3A_61 = arith.constant 40 : i32
    %dma_start3A_62 = arith.constant 0 : i32
    %dma_start3A_63 = tpu.memref_slice %arg6[%dma_start3A_61, %dma_start3A_62] : memref<320x64xf32, #tpu.memory_space<vmem_shared>> -> memref<128x64xf32, #tpu.memory_space<vmem_shared>>
    tpu.enqueue_dma source(%dma_start3A_63 : memref<128x64xf32, #tpu.memory_space<vmem_shared>>) target(%arg20 : memref<128x64xf32, #tpu.memory_space<vmem>>) target_semaphore(%arg36 : memref<!tpu.dma_semaphore, #tpu.memory_space<semaphore_mem>>)
    %add3A_64 = arith.constant 768 : i32
    %add3A_65 = arith.addi %mul3A_2, %add3A_64 : i32
    %dma_start3A_66 = tpu.memref_slice %arg2[%add3A_65] : memref<819200xi32, #tpu.memory_space<hbm>> -> memref<128xi32, #tpu.memory_space<hbm>>
    %dma_start3A_67 = tpu.memref_slice %arg2[%add3A_65] : memref<819200xi32, #tpu.memory_space<hbm>> -> memref<128xi32, #tpu.memory_space<hbm>>
    tpu.enqueue_dma source(%dma_start3A_67 : memref<128xi32, #tpu.memory_space<hbm>>) target(%arg13 : memref<128xi32, #tpu.memory_space<vmem>>) target_semaphore(%arg29 : memref<!tpu.dma_semaphore, #tpu.memory_space<semaphore_mem>>)
    %dma_start3A_68 = arith.constant 168 : i32
    %dma_start3A_69 = arith.constant 0 : i32
    %dma_start3A_70 = tpu.memref_slice %arg6[%dma_start3A_68, %dma_start3A_69] : memref<320x64xf32, #tpu.memory_space<vmem_shared>> -> memref<128x64xf32, #tpu.memory_space<vmem_shared>>
    %dma_start3A_71 = arith.constant 168 : i32
    %dma_start3A_72 = arith.constant 0 : i32
    %dma_start3A_73 = tpu.memref_slice %arg6[%dma_start3A_71, %dma_start3A_72] : memref<320x64xf32, #tpu.memory_space<vmem_shared>> -> memref<128x64xf32, #tpu.memory_space<vmem_shared>>
    tpu.enqueue_dma source(%dma_start3A_73 : memref<128x64xf32, #tpu.memory_space<vmem_shared>>) target(%arg21 : memref<128x64xf32, #tpu.memory_space<vmem>>) target_semaphore(%arg37 : memref<!tpu.dma_semaphore, #tpu.memory_space<semaphore_mem>>)
    %add3A_74 = arith.constant 896 : i32
    %add3A_75 = arith.addi %mul3A_2, %add3A_74 : i32
    %dma_start3A_76 = tpu.memref_slice %arg2[%add3A_75] : memref<819200xi32, #tpu.memory_space<hbm>> -> memref<128xi32, #tpu.memory_space<hbm>>
    %dma_start3A_77 = tpu.memref_slice %arg2[%add3A_75] : memref<819200xi32, #tpu.memory_space<hbm>> -> memref<128xi32, #tpu.memory_space<hbm>>
    tpu.enqueue_dma source(%dma_start3A_77 : memref<128xi32, #tpu.memory_space<hbm>>) target(%arg14 : memref<128xi32, #tpu.memory_space<vmem>>) target_semaphore(%arg30 : memref<!tpu.dma_semaphore, #tpu.memory_space<semaphore_mem>>)
    %dma_start3A_78 = arith.constant 96 : i32
    %dma_start3A_79 = arith.constant 0 : i32
    %dma_start3A_80 = tpu.memref_slice %arg6[%dma_start3A_78, %dma_start3A_79] : memref<320x64xf32, #tpu.memory_space<vmem_shared>> -> memref<128x64xf32, #tpu.memory_space<vmem_shared>>
    %dma_start3A_81 = arith.constant 96 : i32
    %dma_start3A_82 = arith.constant 0 : i32
    %dma_start3A_83 = tpu.memref_slice %arg6[%dma_start3A_81, %dma_start3A_82] : memref<320x64xf32, #tpu.memory_space<vmem_shared>> -> memref<128x64xf32, #tpu.memory_space<vmem_shared>>
    tpu.enqueue_dma source(%dma_start3A_83 : memref<128x64xf32, #tpu.memory_space<vmem_shared>>) target(%arg22 : memref<128x64xf32, #tpu.memory_space<vmem>>) target_semaphore(%arg38 : memref<!tpu.dma_semaphore, #tpu.memory_space<semaphore_mem>>)
    %scan3A = arith.constant 0 : i32
    %scan3A_84 = arith.constant 0 : i32
    %scan3A_85 = arith.constant 25 : i32
    %scan3A_86 = arith.addi %scan3A_84, %scan3A_85 : i32
    %scan3A_87 = arith.constant 1 : i32
    scf.for %scan3A_168 = %scan3A_84 to %scan3A_86 step %scan3A_87  : i32 {
      %mul3A_169 = arith.constant 8 : i32
      %mul3A_170 = arith.muli %scan3A_168, %mul3A_169 : i32
      %add3A_171 = arith.constant 0 : i32
      %add3A_172 = arith.addi %mul3A_170, %add3A_171 : i32
      %mul3A_173 = arith.constant 128 : i32
      %mul3A_174 = arith.muli %add3A_172, %mul3A_173 : i32
      %add3A_175 = arith.addi %mul3A_2, %mul3A_174 : i32
      %mul3A_176 = arith.constant 128 : i32
      %mul3A_177 = arith.muli %add3A_172, %mul3A_176 : i32
      %jit3A = arith.constant 200 : i32
      %eq3A_178 = arith.constant 0 : i32
      %eq3A_179 = arith.cmpi eq, %jit3A, %eq3A_178 : i32
      %jit3A_180 = arith.constant 1 : i32
      %select_n3A = arith.select %eq3A_179, %jit3A_180, %jit3A : i32
      %rem3A = arith.remsi %mul3A_177, %select_n3A : i32
      %ne3A = arith.constant 0 : i32
      %ne3A_181 = arith.cmpi ne, %rem3A, %ne3A : i32
      %lt3A = arith.constant 0 : i32
      %lt3A_182 = arith.cmpi slt, %rem3A, %lt3A : i32
      %lt3A_183 = arith.constant 0 : i32
      %lt3A_184 = arith.cmpi slt, %select_n3A, %lt3A_183 : i32
      %ne3A_185 = arith.xori %lt3A_182, %lt3A_184 : i1
      %and3A = arith.andi %ne3A_185, %ne3A_181 : i1
      %add3A_186 = arith.addi %rem3A, %select_n3A : i32
      %select_n3A_187 = arith.select %and3A, %add3A_186, %rem3A : i32
      %dma_wait3A_188 = tpu.memref_slice %arg2[%add3A_175] : memref<819200xi32, #tpu.memory_space<hbm>> -> memref<128xi32, #tpu.memory_space<hbm>>
      %dma_wait3A_189 = tpu.memref_slice %arg2[%add3A_175] : memref<819200xi32, #tpu.memory_space<hbm>> -> memref<128xi32, #tpu.memory_space<hbm>>
      tpu.wait_dma2 semaphore(%arg23 : memref<!tpu.dma_semaphore, #tpu.memory_space<semaphore_mem>>) src(%dma_wait3A_189 : memref<128xi32, #tpu.memory_space<hbm>>) dst(%arg7 : memref<128xi32, #tpu.memory_space<vmem>>)
      %dma_wait3A_190 = arith.constant 0 : i32
      %dma_wait3A_191 = tpu.memref_slice %arg6[%select_n3A_187, %dma_wait3A_190] : memref<320x64xf32, #tpu.memory_space<vmem_shared>> -> memref<128x64xf32, #tpu.memory_space<vmem_shared>>
      %dma_wait3A_192 = arith.constant 0 : i32
      %dma_wait3A_193 = tpu.memref_slice %arg6[%select_n3A_187, %dma_wait3A_192] : memref<320x64xf32, #tpu.memory_space<vmem_shared>> -> memref<128x64xf32, #tpu.memory_space<vmem_shared>>
      tpu.wait_dma2 semaphore(%arg31 : memref<!tpu.dma_semaphore, #tpu.memory_space<semaphore_mem>>) src(%dma_wait3A_193 : memref<128x64xf32, #tpu.memory_space<vmem_shared>>) dst(%arg15 : memref<128x64xf32, #tpu.memory_space<vmem>>)
      %dma_start3A_194 = arith.constant 0 : i32
      %dma_start3A_195 = arith.constant 0 : i32
      %dma_start3A_196 = tpu.memref_slice %arg4[%dma_start3A_194, %dma_start3A_195] : memref<1000000x64xf32, #tpu.memory_space<hbm>> -> memref<1000000x64xf32, #tpu.memory_space<hbm>>
      tpu.enqueue_indirect_dma source(%dma_start3A_196 : memref<1000000x64xf32, #tpu.memory_space<hbm>>) target(%arg15 : memref<128x64xf32, #tpu.memory_space<vmem>>) offsets(%arg7 : memref<128xi32, #tpu.memory_space<vmem>>) semaphore(%arg39 : memref<!tpu.dma_semaphore, #tpu.memory_space<semaphore_mem>>) {add = true}
      %mul3A_197 = arith.constant 8 : i32
      %mul3A_198 = arith.muli %scan3A_168, %mul3A_197 : i32
      %add3A_199 = arith.constant 1 : i32
      %add3A_200 = arith.addi %mul3A_198, %add3A_199 : i32
      %mul3A_201 = arith.constant 128 : i32
      %mul3A_202 = arith.muli %add3A_200, %mul3A_201 : i32
      %add3A_203 = arith.addi %mul3A_2, %mul3A_202 : i32
      %mul3A_204 = arith.constant 128 : i32
      %mul3A_205 = arith.muli %add3A_200, %mul3A_204 : i32
      %jit3A_206 = arith.constant 200 : i32
      %eq3A_207 = arith.constant 0 : i32
      %eq3A_208 = arith.cmpi eq, %jit3A_206, %eq3A_207 : i32
      %jit3A_209 = arith.constant 1 : i32
      %select_n3A_210 = arith.select %eq3A_208, %jit3A_209, %jit3A_206 : i32
      %rem3A_211 = arith.remsi %mul3A_205, %select_n3A_210 : i32
      %ne3A_212 = arith.constant 0 : i32
      %ne3A_213 = arith.cmpi ne, %rem3A_211, %ne3A_212 : i32
      %lt3A_214 = arith.constant 0 : i32
      %lt3A_215 = arith.cmpi slt, %rem3A_211, %lt3A_214 : i32
      %lt3A_216 = arith.constant 0 : i32
      %lt3A_217 = arith.cmpi slt, %select_n3A_210, %lt3A_216 : i32
      %ne3A_218 = arith.xori %lt3A_215, %lt3A_217 : i1
      %and3A_219 = arith.andi %ne3A_218, %ne3A_213 : i1
      %add3A_220 = arith.addi %rem3A_211, %select_n3A_210 : i32
      %select_n3A_221 = arith.select %and3A_219, %add3A_220, %rem3A_211 : i32
      %dma_wait3A_222 = tpu.memref_slice %arg2[%add3A_203] : memref<819200xi32, #tpu.memory_space<hbm>> -> memref<128xi32, #tpu.memory_space<hbm>>
      %dma_wait3A_223 = tpu.memref_slice %arg2[%add3A_203] : memref<819200xi32, #tpu.memory_space<hbm>> -> memref<128xi32, #tpu.memory_space<hbm>>
      tpu.wait_dma2 semaphore(%arg24 : memref<!tpu.dma_semaphore, #tpu.memory_space<semaphore_mem>>) src(%dma_wait3A_223 : memref<128xi32, #tpu.memory_space<hbm>>) dst(%arg8 : memref<128xi32, #tpu.memory_space<vmem>>)
      %dma_wait3A_224 = arith.constant 0 : i32
      %dma_wait3A_225 = tpu.memref_slice %arg6[%select_n3A_221, %dma_wait3A_224] : memref<320x64xf32, #tpu.memory_space<vmem_shared>> -> memref<128x64xf32, #tpu.memory_space<vmem_shared>>
      %dma_wait3A_226 = arith.constant 0 : i32
      %dma_wait3A_227 = tpu.memref_slice %arg6[%select_n3A_221, %dma_wait3A_226] : memref<320x64xf32, #tpu.memory_space<vmem_shared>> -> memref<128x64xf32, #tpu.memory_space<vmem_shared>>
      tpu.wait_dma2 semaphore(%arg32 : memref<!tpu.dma_semaphore, #tpu.memory_space<semaphore_mem>>) src(%dma_wait3A_227 : memref<128x64xf32, #tpu.memory_space<vmem_shared>>) dst(%arg16 : memref<128x64xf32, #tpu.memory_space<vmem>>)
      %dma_start3A_228 = arith.constant 0 : i32
      %dma_start3A_229 = arith.constant 0 : i32
      %dma_start3A_230 = tpu.memref_slice %arg4[%dma_start3A_228, %dma_start3A_229] : memref<1000000x64xf32, #tpu.memory_space<hbm>> -> memref<1000000x64xf32, #tpu.memory_space<hbm>>
      tpu.enqueue_indirect_dma source(%dma_start3A_230 : memref<1000000x64xf32, #tpu.memory_space<hbm>>) target(%arg16 : memref<128x64xf32, #tpu.memory_space<vmem>>) offsets(%arg8 : memref<128xi32, #tpu.memory_space<vmem>>) semaphore(%arg40 : memref<!tpu.dma_semaphore, #tpu.memory_space<semaphore_mem>>) {add = true}
      %mul3A_231 = arith.constant 8 : i32
      %mul3A_232 = arith.muli %scan3A_168, %mul3A_231 : i32
      %add3A_233 = arith.constant 2 : i32
      %add3A_234 = arith.addi %mul3A_232, %add3A_233 : i32
      %mul3A_235 = arith.constant 128 : i32
      %mul3A_236 = arith.muli %add3A_234, %mul3A_235 : i32
      %add3A_237 = arith.addi %mul3A_2, %mul3A_236 : i32
      %mul3A_238 = arith.constant 128 : i32
      %mul3A_239 = arith.muli %add3A_234, %mul3A_238 : i32
      %jit3A_240 = arith.constant 200 : i32
      %eq3A_241 = arith.constant 0 : i32
      %eq3A_242 = arith.cmpi eq, %jit3A_240, %eq3A_241 : i32
      %jit3A_243 = arith.constant 1 : i32
      %select_n3A_244 = arith.select %eq3A_242, %jit3A_243, %jit3A_240 : i32
      %rem3A_245 = arith.remsi %mul3A_239, %select_n3A_244 : i32
      %ne3A_246 = arith.constant 0 : i32
      %ne3A_247 = arith.cmpi ne, %rem3A_245, %ne3A_246 : i32
      %lt3A_248 = arith.constant 0 : i32
      %lt3A_249 = arith.cmpi slt, %rem3A_245, %lt3A_248 : i32
      %lt3A_250 = arith.constant 0 : i32
      %lt3A_251 = arith.cmpi slt, %select_n3A_244, %lt3A_250 : i32
      %ne3A_252 = arith.xori %lt3A_249, %lt3A_251 : i1
      %and3A_253 = arith.andi %ne3A_252, %ne3A_247 : i1
      %add3A_254 = arith.addi %rem3A_245, %select_n3A_244 : i32
      %select_n3A_255 = arith.select %and3A_253, %add3A_254, %rem3A_245 : i32
      %dma_wait3A_256 = tpu.memref_slice %arg2[%add3A_237] : memref<819200xi32, #tpu.memory_space<hbm>> -> memref<128xi32, #tpu.memory_space<hbm>>
      %dma_wait3A_257 = tpu.memref_slice %arg2[%add3A_237] : memref<819200xi32, #tpu.memory_space<hbm>> -> memref<128xi32, #tpu.memory_space<hbm>>
      tpu.wait_dma2 semaphore(%arg25 : memref<!tpu.dma_semaphore, #tpu.memory_space<semaphore_mem>>) src(%dma_wait3A_257 : memref<128xi32, #tpu.memory_space<hbm>>) dst(%arg9 : memref<128xi32, #tpu.memory_space<vmem>>)
      %dma_wait3A_258 = arith.constant 0 : i32
      %dma_wait3A_259 = tpu.memref_slice %arg6[%select_n3A_255, %dma_wait3A_258] : memref<320x64xf32, #tpu.memory_space<vmem_shared>> -> memref<128x64xf32, #tpu.memory_space<vmem_shared>>
      %dma_wait3A_260 = arith.constant 0 : i32
      %dma_wait3A_261 = tpu.memref_slice %arg6[%select_n3A_255, %dma_wait3A_260] : memref<320x64xf32, #tpu.memory_space<vmem_shared>> -> memref<128x64xf32, #tpu.memory_space<vmem_shared>>
      tpu.wait_dma2 semaphore(%arg33 : memref<!tpu.dma_semaphore, #tpu.memory_space<semaphore_mem>>) src(%dma_wait3A_261 : memref<128x64xf32, #tpu.memory_space<vmem_shared>>) dst(%arg17 : memref<128x64xf32, #tpu.memory_space<vmem>>)
      %dma_start3A_262 = arith.constant 0 : i32
      %dma_start3A_263 = arith.constant 0 : i32
      %dma_start3A_264 = tpu.memref_slice %arg4[%dma_start3A_262, %dma_start3A_263] : memref<1000000x64xf32, #tpu.memory_space<hbm>> -> memref<1000000x64xf32, #tpu.memory_space<hbm>>
      tpu.enqueue_indirect_dma source(%dma_start3A_264 : memref<1000000x64xf32, #tpu.memory_space<hbm>>) target(%arg17 : memref<128x64xf32, #tpu.memory_space<vmem>>) offsets(%arg9 : memref<128xi32, #tpu.memory_space<vmem>>) semaphore(%arg41 : memref<!tpu.dma_semaphore, #tpu.memory_space<semaphore_mem>>) {add = true}
      %mul3A_265 = arith.constant 8 : i32
      %mul3A_266 = arith.muli %scan3A_168, %mul3A_265 : i32
      %add3A_267 = arith.constant 3 : i32
      %add3A_268 = arith.addi %mul3A_266, %add3A_267 : i32
      %mul3A_269 = arith.constant 128 : i32
      %mul3A_270 = arith.muli %add3A_268, %mul3A_269 : i32
      %add3A_271 = arith.addi %mul3A_2, %mul3A_270 : i32
      %mul3A_272 = arith.constant 128 : i32
      %mul3A_273 = arith.muli %add3A_268, %mul3A_272 : i32
      %jit3A_274 = arith.constant 200 : i32
      %eq3A_275 = arith.constant 0 : i32
      %eq3A_276 = arith.cmpi eq, %jit3A_274, %eq3A_275 : i32
      %jit3A_277 = arith.constant 1 : i32
      %select_n3A_278 = arith.select %eq3A_276, %jit3A_277, %jit3A_274 : i32
      %rem3A_279 = arith.remsi %mul3A_273, %select_n3A_278 : i32
      %ne3A_280 = arith.constant 0 : i32
      %ne3A_281 = arith.cmpi ne, %rem3A_279, %ne3A_280 : i32
      %lt3A_282 = arith.constant 0 : i32
      %lt3A_283 = arith.cmpi slt, %rem3A_279, %lt3A_282 : i32
      %lt3A_284 = arith.constant 0 : i32
      %lt3A_285 = arith.cmpi slt, %select_n3A_278, %lt3A_284 : i32
      %ne3A_286 = arith.xori %lt3A_283, %lt3A_285 : i1
      %and3A_287 = arith.andi %ne3A_286, %ne3A_281 : i1
      %add3A_288 = arith.addi %rem3A_279, %select_n3A_278 : i32
      %select_n3A_289 = arith.select %and3A_287, %add3A_288, %rem3A_279 : i32
      %dma_wait3A_290 = tpu.memref_slice %arg2[%add3A_271] : memref<819200xi32, #tpu.memory_space<hbm>> -> memref<128xi32, #tpu.memory_space<hbm>>
      %dma_wait3A_291 = tpu.memref_slice %arg2[%add3A_271] : memref<819200xi32, #tpu.memory_space<hbm>> -> memref<128xi32, #tpu.memory_space<hbm>>
      tpu.wait_dma2 semaphore(%arg26 : memref<!tpu.dma_semaphore, #tpu.memory_space<semaphore_mem>>) src(%dma_wait3A_291 : memref<128xi32, #tpu.memory_space<hbm>>) dst(%arg10 : memref<128xi32, #tpu.memory_space<vmem>>)
      %dma_wait3A_292 = arith.constant 0 : i32
      %dma_wait3A_293 = tpu.memref_slice %arg6[%select_n3A_289, %dma_wait3A_292] : memref<320x64xf32, #tpu.memory_space<vmem_shared>> -> memref<128x64xf32, #tpu.memory_space<vmem_shared>>
      %dma_wait3A_294 = arith.constant 0 : i32
      %dma_wait3A_295 = tpu.memref_slice %arg6[%select_n3A_289, %dma_wait3A_294] : memref<320x64xf32, #tpu.memory_space<vmem_shared>> -> memref<128x64xf32, #tpu.memory_space<vmem_shared>>
      tpu.wait_dma2 semaphore(%arg34 : memref<!tpu.dma_semaphore, #tpu.memory_space<semaphore_mem>>) src(%dma_wait3A_295 : memref<128x64xf32, #tpu.memory_space<vmem_shared>>) dst(%arg18 : memref<128x64xf32, #tpu.memory_space<vmem>>)
      %dma_start3A_296 = arith.constant 0 : i32
      %dma_start3A_297 = arith.constant 0 : i32
      %dma_start3A_298 = tpu.memref_slice %arg4[%dma_start3A_296, %dma_start3A_297] : memref<1000000x64xf32, #tpu.memory_space<hbm>> -> memref<1000000x64xf32, #tpu.memory_space<hbm>>
      tpu.enqueue_indirect_dma source(%dma_start3A_298 : memref<1000000x64xf32, #tpu.memory_space<hbm>>) target(%arg18 : memref<128x64xf32, #tpu.memory_space<vmem>>) offsets(%arg10 : memref<128xi32, #tpu.memory_space<vmem>>) semaphore(%arg42 : memref<!tpu.dma_semaphore, #tpu.memory_space<semaphore_mem>>) {add = true}
      %mul3A_299 = arith.constant 8 : i32
      %mul3A_300 = arith.muli %scan3A_168, %mul3A_299 : i32
      %add3A_301 = arith.constant 4 : i32
      %add3A_302 = arith.addi %mul3A_300, %add3A_301 : i32
      %mul3A_303 = arith.constant 128 : i32
      %mul3A_304 = arith.muli %add3A_302, %mul3A_303 : i32
      %add3A_305 = arith.addi %mul3A_2, %mul3A_304 : i32
      %mul3A_306 = arith.constant 128 : i32
      %mul3A_307 = arith.muli %add3A_302, %mul3A_306 : i32
      %jit3A_308 = arith.constant 200 : i32
      %eq3A_309 = arith.constant 0 : i32
      %eq3A_310 = arith.cmpi eq, %jit3A_308, %eq3A_309 : i32
      %jit3A_311 = arith.constant 1 : i32
      %select_n3A_312 = arith.select %eq3A_310, %jit3A_311, %jit3A_308 : i32
      %rem3A_313 = arith.remsi %mul3A_307, %select_n3A_312 : i32
      %ne3A_314 = arith.constant 0 : i32
      %ne3A_315 = arith.cmpi ne, %rem3A_313, %ne3A_314 : i32
      %lt3A_316 = arith.constant 0 : i32
      %lt3A_317 = arith.cmpi slt, %rem3A_313, %lt3A_316 : i32
      %lt3A_318 = arith.constant 0 : i32
      %lt3A_319 = arith.cmpi slt, %select_n3A_312, %lt3A_318 : i32
      %ne3A_320 = arith.xori %lt3A_317, %lt3A_319 : i1
      %and3A_321 = arith.andi %ne3A_320, %ne3A_315 : i1
      %add3A_322 = arith.addi %rem3A_313, %select_n3A_312 : i32
      %select_n3A_323 = arith.select %and3A_321, %add3A_322, %rem3A_313 : i32
      %dma_wait3A_324 = tpu.memref_slice %arg2[%add3A_305] : memref<819200xi32, #tpu.memory_space<hbm>> -> memref<128xi32, #tpu.memory_space<hbm>>
      %dma_wait3A_325 = tpu.memref_slice %arg2[%add3A_305] : memref<819200xi32, #tpu.memory_space<hbm>> -> memref<128xi32, #tpu.memory_space<hbm>>
      tpu.wait_dma2 semaphore(%arg27 : memref<!tpu.dma_semaphore, #tpu.memory_space<semaphore_mem>>) src(%dma_wait3A_325 : memref<128xi32, #tpu.memory_space<hbm>>) dst(%arg11 : memref<128xi32, #tpu.memory_space<vmem>>)
      %dma_wait3A_326 = arith.constant 0 : i32
      %dma_wait3A_327 = tpu.memref_slice %arg6[%select_n3A_323, %dma_wait3A_326] : memref<320x64xf32, #tpu.memory_space<vmem_shared>> -> memref<128x64xf32, #tpu.memory_space<vmem_shared>>
      %dma_wait3A_328 = arith.constant 0 : i32
      %dma_wait3A_329 = tpu.memref_slice %arg6[%select_n3A_323, %dma_wait3A_328] : memref<320x64xf32, #tpu.memory_space<vmem_shared>> -> memref<128x64xf32, #tpu.memory_space<vmem_shared>>
      tpu.wait_dma2 semaphore(%arg35 : memref<!tpu.dma_semaphore, #tpu.memory_space<semaphore_mem>>) src(%dma_wait3A_329 : memref<128x64xf32, #tpu.memory_space<vmem_shared>>) dst(%arg19 : memref<128x64xf32, #tpu.memory_space<vmem>>)
      %dma_start3A_330 = arith.constant 0 : i32
      %dma_start3A_331 = arith.constant 0 : i32
      %dma_start3A_332 = tpu.memref_slice %arg4[%dma_start3A_330, %dma_start3A_331] : memref<1000000x64xf32, #tpu.memory_space<hbm>> -> memref<1000000x64xf32, #tpu.memory_space<hbm>>
      tpu.enqueue_indirect_dma source(%dma_start3A_332 : memref<1000000x64xf32, #tpu.memory_space<hbm>>) target(%arg19 : memref<128x64xf32, #tpu.memory_space<vmem>>) offsets(%arg11 : memref<128xi32, #tpu.memory_space<vmem>>) semaphore(%arg43 : memref<!tpu.dma_semaphore, #tpu.memory_space<semaphore_mem>>) {add = true}
      %mul3A_333 = arith.constant 8 : i32
      %mul3A_334 = arith.muli %scan3A_168, %mul3A_333 : i32
      %add3A_335 = arith.constant 5 : i32
      %add3A_336 = arith.addi %mul3A_334, %add3A_335 : i32
      %mul3A_337 = arith.constant 128 : i32
      %mul3A_338 = arith.muli %add3A_336, %mul3A_337 : i32
      %add3A_339 = arith.addi %mul3A_2, %mul3A_338 : i32
      %mul3A_340 = arith.constant 128 : i32
      %mul3A_341 = arith.muli %add3A_336, %mul3A_340 : i32
      %jit3A_342 = arith.constant 200 : i32
      %eq3A_343 = arith.constant 0 : i32
      %eq3A_344 = arith.cmpi eq, %jit3A_342, %eq3A_343 : i32
      %jit3A_345 = arith.constant 1 : i32
      %select_n3A_346 = arith.select %eq3A_344, %jit3A_345, %jit3A_342 : i32
      %rem3A_347 = arith.remsi %mul3A_341, %select_n3A_346 : i32
      %ne3A_348 = arith.constant 0 : i32
      %ne3A_349 = arith.cmpi ne, %rem3A_347, %ne3A_348 : i32
      %lt3A_350 = arith.constant 0 : i32
      %lt3A_351 = arith.cmpi slt, %rem3A_347, %lt3A_350 : i32
      %lt3A_352 = arith.constant 0 : i32
      %lt3A_353 = arith.cmpi slt, %select_n3A_346, %lt3A_352 : i32
      %ne3A_354 = arith.xori %lt3A_351, %lt3A_353 : i1
      %and3A_355 = arith.andi %ne3A_354, %ne3A_349 : i1
      %add3A_356 = arith.addi %rem3A_347, %select_n3A_346 : i32
      %select_n3A_357 = arith.select %and3A_355, %add3A_356, %rem3A_347 : i32
      %dma_wait3A_358 = tpu.memref_slice %arg2[%add3A_339] : memref<819200xi32, #tpu.memory_space<hbm>> -> memref<128xi32, #tpu.memory_space<hbm>>
      %dma_wait3A_359 = tpu.memref_slice %arg2[%add3A_339] : memref<819200xi32, #tpu.memory_space<hbm>> -> memref<128xi32, #tpu.memory_space<hbm>>
      tpu.wait_dma2 semaphore(%arg28 : memref<!tpu.dma_semaphore, #tpu.memory_space<semaphore_mem>>) src(%dma_wait3A_359 : memref<128xi32, #tpu.memory_space<hbm>>) dst(%arg12 : memref<128xi32, #tpu.memory_space<vmem>>)
      %dma_wait3A_360 = arith.constant 0 : i32
      %dma_wait3A_361 = tpu.memref_slice %arg6[%select_n3A_357, %dma_wait3A_360] : memref<320x64xf32, #tpu.memory_space<vmem_shared>> -> memref<128x64xf32, #tpu.memory_space<vmem_shared>>
      %dma_wait3A_362 = arith.constant 0 : i32
      %dma_wait3A_363 = tpu.memref_slice %arg6[%select_n3A_357, %dma_wait3A_362] : memref<320x64xf32, #tpu.memory_space<vmem_shared>> -> memref<128x64xf32, #tpu.memory_space<vmem_shared>>
      tpu.wait_dma2 semaphore(%arg36 : memref<!tpu.dma_semaphore, #tpu.memory_space<semaphore_mem>>) src(%dma_wait3A_363 : memref<128x64xf32, #tpu.memory_space<vmem_shared>>) dst(%arg20 : memref<128x64xf32, #tpu.memory_space<vmem>>)
      %dma_start3A_364 = arith.constant 0 : i32
      %dma_start3A_365 = arith.constant 0 : i32
      %dma_start3A_366 = tpu.memref_slice %arg4[%dma_start3A_364, %dma_start3A_365] : memref<1000000x64xf32, #tpu.memory_space<hbm>> -> memref<1000000x64xf32, #tpu.memory_space<hbm>>
      tpu.enqueue_indirect_dma source(%dma_start3A_366 : memref<1000000x64xf32, #tpu.memory_space<hbm>>) target(%arg20 : memref<128x64xf32, #tpu.memory_space<vmem>>) offsets(%arg12 : memref<128xi32, #tpu.memory_space<vmem>>) semaphore(%arg44 : memref<!tpu.dma_semaphore, #tpu.memory_space<semaphore_mem>>) {add = true}
      %mul3A_367 = arith.constant 8 : i32
      %mul3A_368 = arith.muli %scan3A_168, %mul3A_367 : i32
      %add3A_369 = arith.constant 6 : i32
      %add3A_370 = arith.addi %mul3A_368, %add3A_369 : i32
      %mul3A_371 = arith.constant 128 : i32
      %mul3A_372 = arith.muli %add3A_370, %mul3A_371 : i32
      %add3A_373 = arith.addi %mul3A_2, %mul3A_372 : i32
      %mul3A_374 = arith.constant 128 : i32
      %mul3A_375 = arith.muli %add3A_370, %mul3A_374 : i32
      %jit3A_376 = arith.constant 200 : i32
      %eq3A_377 = arith.constant 0 : i32
      %eq3A_378 = arith.cmpi eq, %jit3A_376, %eq3A_377 : i32
      %jit3A_379 = arith.constant 1 : i32
      %select_n3A_380 = arith.select %eq3A_378, %jit3A_379, %jit3A_376 : i32
      %rem3A_381 = arith.remsi %mul3A_375, %select_n3A_380 : i32
      %ne3A_382 = arith.constant 0 : i32
      %ne3A_383 = arith.cmpi ne, %rem3A_381, %ne3A_382 : i32
      %lt3A_384 = arith.constant 0 : i32
      %lt3A_385 = arith.cmpi slt, %rem3A_381, %lt3A_384 : i32
      %lt3A_386 = arith.constant 0 : i32
      %lt3A_387 = arith.cmpi slt, %select_n3A_380, %lt3A_386 : i32
      %ne3A_388 = arith.xori %lt3A_385, %lt3A_387 : i1
      %and3A_389 = arith.andi %ne3A_388, %ne3A_383 : i1
      %add3A_390 = arith.addi %rem3A_381, %select_n3A_380 : i32
      %select_n3A_391 = arith.select %and3A_389, %add3A_390, %rem3A_381 : i32
      %dma_wait3A_392 = tpu.memref_slice %arg2[%add3A_373] : memref<819200xi32, #tpu.memory_space<hbm>> -> memref<128xi32, #tpu.memory_space<hbm>>
      %dma_wait3A_393 = tpu.memref_slice %arg2[%add3A_373] : memref<819200xi32, #tpu.memory_space<hbm>> -> memref<128xi32, #tpu.memory_space<hbm>>
      tpu.wait_dma2 semaphore(%arg29 : memref<!tpu.dma_semaphore, #tpu.memory_space<semaphore_mem>>) src(%dma_wait3A_393 : memref<128xi32, #tpu.memory_space<hbm>>) dst(%arg13 : memref<128xi32, #tpu.memory_space<vmem>>)
      %dma_wait3A_394 = arith.constant 0 : i32
      %dma_wait3A_395 = tpu.memref_slice %arg6[%select_n3A_391, %dma_wait3A_394] : memref<320x64xf32, #tpu.memory_space<vmem_shared>> -> memref<128x64xf32, #tpu.memory_space<vmem_shared>>
      %dma_wait3A_396 = arith.constant 0 : i32
      %dma_wait3A_397 = tpu.memref_slice %arg6[%select_n3A_391, %dma_wait3A_396] : memref<320x64xf32, #tpu.memory_space<vmem_shared>> -> memref<128x64xf32, #tpu.memory_space<vmem_shared>>
      tpu.wait_dma2 semaphore(%arg37 : memref<!tpu.dma_semaphore, #tpu.memory_space<semaphore_mem>>) src(%dma_wait3A_397 : memref<128x64xf32, #tpu.memory_space<vmem_shared>>) dst(%arg21 : memref<128x64xf32, #tpu.memory_space<vmem>>)
      %dma_start3A_398 = arith.constant 0 : i32
      %dma_start3A_399 = arith.constant 0 : i32
      %dma_start3A_400 = tpu.memref_slice %arg4[%dma_start3A_398, %dma_start3A_399] : memref<1000000x64xf32, #tpu.memory_space<hbm>> -> memref<1000000x64xf32, #tpu.memory_space<hbm>>
      tpu.enqueue_indirect_dma source(%dma_start3A_400 : memref<1000000x64xf32, #tpu.memory_space<hbm>>) target(%arg21 : memref<128x64xf32, #tpu.memory_space<vmem>>) offsets(%arg13 : memref<128xi32, #tpu.memory_space<vmem>>) semaphore(%arg45 : memref<!tpu.dma_semaphore, #tpu.memory_space<semaphore_mem>>) {add = true}
      %mul3A_401 = arith.constant 8 : i32
      %mul3A_402 = arith.muli %scan3A_168, %mul3A_401 : i32
      %add3A_403 = arith.constant 7 : i32
      %add3A_404 = arith.addi %mul3A_402, %add3A_403 : i32
      %mul3A_405 = arith.constant 128 : i32
      %mul3A_406 = arith.muli %add3A_404, %mul3A_405 : i32
      %add3A_407 = arith.addi %mul3A_2, %mul3A_406 : i32
      %mul3A_408 = arith.constant 128 : i32
      %mul3A_409 = arith.muli %add3A_404, %mul3A_408 : i32
      %jit3A_410 = arith.constant 200 : i32
      %eq3A_411 = arith.constant 0 : i32
      %eq3A_412 = arith.cmpi eq, %jit3A_410, %eq3A_411 : i32
      %jit3A_413 = arith.constant 1 : i32
      %select_n3A_414 = arith.select %eq3A_412, %jit3A_413, %jit3A_410 : i32
      %rem3A_415 = arith.remsi %mul3A_409, %select_n3A_414 : i32
      %ne3A_416 = arith.constant 0 : i32
      %ne3A_417 = arith.cmpi ne, %rem3A_415, %ne3A_416 : i32
      %lt3A_418 = arith.constant 0 : i32
      %lt3A_419 = arith.cmpi slt, %rem3A_415, %lt3A_418 : i32
      %lt3A_420 = arith.constant 0 : i32
      %lt3A_421 = arith.cmpi slt, %select_n3A_414, %lt3A_420 : i32
      %ne3A_422 = arith.xori %lt3A_419, %lt3A_421 : i1
      %and3A_423 = arith.andi %ne3A_422, %ne3A_417 : i1
      %add3A_424 = arith.addi %rem3A_415, %select_n3A_414 : i32
      %select_n3A_425 = arith.select %and3A_423, %add3A_424, %rem3A_415 : i32
      %dma_wait3A_426 = tpu.memref_slice %arg2[%add3A_407] : memref<819200xi32, #tpu.memory_space<hbm>> -> memref<128xi32, #tpu.memory_space<hbm>>
      %dma_wait3A_427 = tpu.memref_slice %arg2[%add3A_407] : memref<819200xi32, #tpu.memory_space<hbm>> -> memref<128xi32, #tpu.memory_space<hbm>>
      tpu.wait_dma2 semaphore(%arg30 : memref<!tpu.dma_semaphore, #tpu.memory_space<semaphore_mem>>) src(%dma_wait3A_427 : memref<128xi32, #tpu.memory_space<hbm>>) dst(%arg14 : memref<128xi32, #tpu.memory_space<vmem>>)
      %dma_wait3A_428 = arith.constant 0 : i32
      %dma_wait3A_429 = tpu.memref_slice %arg6[%select_n3A_425, %dma_wait3A_428] : memref<320x64xf32, #tpu.memory_space<vmem_shared>> -> memref<128x64xf32, #tpu.memory_space<vmem_shared>>
      %dma_wait3A_430 = arith.constant 0 : i32
      %dma_wait3A_431 = tpu.memref_slice %arg6[%select_n3A_425, %dma_wait3A_430] : memref<320x64xf32, #tpu.memory_space<vmem_shared>> -> memref<128x64xf32, #tpu.memory_space<vmem_shared>>
      tpu.wait_dma2 semaphore(%arg38 : memref<!tpu.dma_semaphore, #tpu.memory_space<semaphore_mem>>) src(%dma_wait3A_431 : memref<128x64xf32, #tpu.memory_space<vmem_shared>>) dst(%arg22 : memref<128x64xf32, #tpu.memory_space<vmem>>)
      %dma_start3A_432 = arith.constant 0 : i32
      %dma_start3A_433 = arith.constant 0 : i32
      %dma_start3A_434 = tpu.memref_slice %arg4[%dma_start3A_432, %dma_start3A_433] : memref<1000000x64xf32, #tpu.memory_space<hbm>> -> memref<1000000x64xf32, #tpu.memory_space<hbm>>
      tpu.enqueue_indirect_dma source(%dma_start3A_434 : memref<1000000x64xf32, #tpu.memory_space<hbm>>) target(%arg22 : memref<128x64xf32, #tpu.memory_space<vmem>>) offsets(%arg14 : memref<128xi32, #tpu.memory_space<vmem>>) semaphore(%arg46 : memref<!tpu.dma_semaphore, #tpu.memory_space<semaphore_mem>>) {add = true}
      %mul3A_435 = arith.constant 8 : i32
      %mul3A_436 = arith.muli %scan3A_168, %mul3A_435 : i32
      %add3A_437 = arith.constant 0 : i32
      %add3A_438 = arith.addi %mul3A_436, %add3A_437 : i32
      %mul3A_439 = arith.constant 128 : i32
      %mul3A_440 = arith.muli %add3A_438, %mul3A_439 : i32
      %add3A_441 = arith.addi %mul3A_2, %mul3A_440 : i32
      %dma_wait3A_442 = arith.constant 0 : i32
      %dma_wait3A_443 = arith.constant 0 : i32
      %dma_wait3A_444 = tpu.memref_slice %arg4[%dma_wait3A_442, %dma_wait3A_443] : memref<1000000x64xf32, #tpu.memory_space<hbm>> -> memref<1000000x64xf32, #tpu.memory_space<hbm>>
      tpu.wait_indirect_dma semaphore(%arg39 : memref<!tpu.dma_semaphore, #tpu.memory_space<semaphore_mem>>) src(%dma_wait3A_444 : memref<1000000x64xf32, #tpu.memory_space<hbm>>) dst(%arg15 : memref<128x64xf32, #tpu.memory_space<vmem>>)
      %dma_start3A_445 = arith.constant 0 : i32
      %dma_start3A_446 = tpu.memref_slice %arg5[%add3A_441, %dma_start3A_445] : memref<819200x128xf32, #tpu.memory_space<hbm>> -> memref<128x64xf32, #tpu.memory_space<hbm>>
      %dma_start3A_447 = arith.constant 0 : i32
      %dma_start3A_448 = tpu.memref_slice %arg5[%add3A_441, %dma_start3A_447] : memref<819200x128xf32, #tpu.memory_space<hbm>> -> memref<128x64xf32, #tpu.memory_space<hbm>>
      tpu.enqueue_dma source(%arg15 : memref<128x64xf32, #tpu.memory_space<vmem>>) target(%dma_start3A_448 : memref<128x64xf32, #tpu.memory_space<hbm>>) target_semaphore(%arg39 : memref<!tpu.dma_semaphore, #tpu.memory_space<semaphore_mem>>)
      %mul3A_449 = arith.constant 8 : i32
      %mul3A_450 = arith.muli %scan3A_168, %mul3A_449 : i32
      %add3A_451 = arith.constant 1 : i32
      %add3A_452 = arith.addi %mul3A_450, %add3A_451 : i32
      %mul3A_453 = arith.constant 128 : i32
      %mul3A_454 = arith.muli %add3A_452, %mul3A_453 : i32
      %add3A_455 = arith.addi %mul3A_2, %mul3A_454 : i32
      %dma_wait3A_456 = arith.constant 0 : i32
      %dma_wait3A_457 = arith.constant 0 : i32
      %dma_wait3A_458 = tpu.memref_slice %arg4[%dma_wait3A_456, %dma_wait3A_457] : memref<1000000x64xf32, #tpu.memory_space<hbm>> -> memref<1000000x64xf32, #tpu.memory_space<hbm>>
      tpu.wait_indirect_dma semaphore(%arg40 : memref<!tpu.dma_semaphore, #tpu.memory_space<semaphore_mem>>) src(%dma_wait3A_458 : memref<1000000x64xf32, #tpu.memory_space<hbm>>) dst(%arg16 : memref<128x64xf32, #tpu.memory_space<vmem>>)
      %dma_start3A_459 = arith.constant 0 : i32
      %dma_start3A_460 = tpu.memref_slice %arg5[%add3A_455, %dma_start3A_459] : memref<819200x128xf32, #tpu.memory_space<hbm>> -> memref<128x64xf32, #tpu.memory_space<hbm>>
      %dma_start3A_461 = arith.constant 0 : i32
      %dma_start3A_462 = tpu.memref_slice %arg5[%add3A_455, %dma_start3A_461] : memref<819200x128xf32, #tpu.memory_space<hbm>> -> memref<128x64xf32, #tpu.memory_space<hbm>>
      tpu.enqueue_dma source(%arg16 : memref<128x64xf32, #tpu.memory_space<vmem>>) target(%dma_start3A_462 : memref<128x64xf32, #tpu.memory_space<hbm>>) target_semaphore(%arg40 : memref<!tpu.dma_semaphore, #tpu.memory_space<semaphore_mem>>)
      %mul3A_463 = arith.constant 8 : i32
      %mul3A_464 = arith.muli %scan3A_168, %mul3A_463 : i32
      %add3A_465 = arith.constant 2 : i32
      %add3A_466 = arith.addi %mul3A_464, %add3A_465 : i32
      %mul3A_467 = arith.constant 128 : i32
      %mul3A_468 = arith.muli %add3A_466, %mul3A_467 : i32
      %add3A_469 = arith.addi %mul3A_2, %mul3A_468 : i32
      %dma_wait3A_470 = arith.constant 0 : i32
      %dma_wait3A_471 = arith.constant 0 : i32
      %dma_wait3A_472 = tpu.memref_slice %arg4[%dma_wait3A_470, %dma_wait3A_471] : memref<1000000x64xf32, #tpu.memory_space<hbm>> -> memref<1000000x64xf32, #tpu.memory_space<hbm>>
      tpu.wait_indirect_dma semaphore(%arg41 : memref<!tpu.dma_semaphore, #tpu.memory_space<semaphore_mem>>) src(%dma_wait3A_472 : memref<1000000x64xf32, #tpu.memory_space<hbm>>) dst(%arg17 : memref<128x64xf32, #tpu.memory_space<vmem>>)
      %dma_start3A_473 = arith.constant 0 : i32
      %dma_start3A_474 = tpu.memref_slice %arg5[%add3A_469, %dma_start3A_473] : memref<819200x128xf32, #tpu.memory_space<hbm>> -> memref<128x64xf32, #tpu.memory_space<hbm>>
      %dma_start3A_475 = arith.constant 0 : i32
      %dma_start3A_476 = tpu.memref_slice %arg5[%add3A_469, %dma_start3A_475] : memref<819200x128xf32, #tpu.memory_space<hbm>> -> memref<128x64xf32, #tpu.memory_space<hbm>>
      tpu.enqueue_dma source(%arg17 : memref<128x64xf32, #tpu.memory_space<vmem>>) target(%dma_start3A_476 : memref<128x64xf32, #tpu.memory_space<hbm>>) target_semaphore(%arg41 : memref<!tpu.dma_semaphore, #tpu.memory_space<semaphore_mem>>)
      %mul3A_477 = arith.constant 8 : i32
      %mul3A_478 = arith.muli %scan3A_168, %mul3A_477 : i32
      %add3A_479 = arith.constant 3 : i32
      %add3A_480 = arith.addi %mul3A_478, %add3A_479 : i32
      %mul3A_481 = arith.constant 128 : i32
      %mul3A_482 = arith.muli %add3A_480, %mul3A_481 : i32
      %add3A_483 = arith.addi %mul3A_2, %mul3A_482 : i32
      %dma_wait3A_484 = arith.constant 0 : i32
      %dma_wait3A_485 = arith.constant 0 : i32
      %dma_wait3A_486 = tpu.memref_slice %arg4[%dma_wait3A_484, %dma_wait3A_485] : memref<1000000x64xf32, #tpu.memory_space<hbm>> -> memref<1000000x64xf32, #tpu.memory_space<hbm>>
      tpu.wait_indirect_dma semaphore(%arg42 : memref<!tpu.dma_semaphore, #tpu.memory_space<semaphore_mem>>) src(%dma_wait3A_486 : memref<1000000x64xf32, #tpu.memory_space<hbm>>) dst(%arg18 : memref<128x64xf32, #tpu.memory_space<vmem>>)
      %dma_start3A_487 = arith.constant 0 : i32
      %dma_start3A_488 = tpu.memref_slice %arg5[%add3A_483, %dma_start3A_487] : memref<819200x128xf32, #tpu.memory_space<hbm>> -> memref<128x64xf32, #tpu.memory_space<hbm>>
      %dma_start3A_489 = arith.constant 0 : i32
      %dma_start3A_490 = tpu.memref_slice %arg5[%add3A_483, %dma_start3A_489] : memref<819200x128xf32, #tpu.memory_space<hbm>> -> memref<128x64xf32, #tpu.memory_space<hbm>>
      tpu.enqueue_dma source(%arg18 : memref<128x64xf32, #tpu.memory_space<vmem>>) target(%dma_start3A_490 : memref<128x64xf32, #tpu.memory_space<hbm>>) target_semaphore(%arg42 : memref<!tpu.dma_semaphore, #tpu.memory_space<semaphore_mem>>)
      %mul3A_491 = arith.constant 8 : i32
      %mul3A_492 = arith.muli %scan3A_168, %mul3A_491 : i32
      %add3A_493 = arith.constant 4 : i32
      %add3A_494 = arith.addi %mul3A_492, %add3A_493 : i32
      %mul3A_495 = arith.constant 128 : i32
      %mul3A_496 = arith.muli %add3A_494, %mul3A_495 : i32
      %add3A_497 = arith.addi %mul3A_2, %mul3A_496 : i32
      %dma_wait3A_498 = arith.constant 0 : i32
      %dma_wait3A_499 = arith.constant 0 : i32
      %dma_wait3A_500 = tpu.memref_slice %arg4[%dma_wait3A_498, %dma_wait3A_499] : memref<1000000x64xf32, #tpu.memory_space<hbm>> -> memref<1000000x64xf32, #tpu.memory_space<hbm>>
      tpu.wait_indirect_dma semaphore(%arg43 : memref<!tpu.dma_semaphore, #tpu.memory_space<semaphore_mem>>) src(%dma_wait3A_500 : memref<1000000x64xf32, #tpu.memory_space<hbm>>) dst(%arg19 : memref<128x64xf32, #tpu.memory_space<vmem>>)
      %dma_start3A_501 = arith.constant 0 : i32
      %dma_start3A_502 = tpu.memref_slice %arg5[%add3A_497, %dma_start3A_501] : memref<819200x128xf32, #tpu.memory_space<hbm>> -> memref<128x64xf32, #tpu.memory_space<hbm>>
      %dma_start3A_503 = arith.constant 0 : i32
      %dma_start3A_504 = tpu.memref_slice %arg5[%add3A_497, %dma_start3A_503] : memref<819200x128xf32, #tpu.memory_space<hbm>> -> memref<128x64xf32, #tpu.memory_space<hbm>>
      tpu.enqueue_dma source(%arg19 : memref<128x64xf32, #tpu.memory_space<vmem>>) target(%dma_start3A_504 : memref<128x64xf32, #tpu.memory_space<hbm>>) target_semaphore(%arg43 : memref<!tpu.dma_semaphore, #tpu.memory_space<semaphore_mem>>)
      %mul3A_505 = arith.constant 8 : i32
      %mul3A_506 = arith.muli %scan3A_168, %mul3A_505 : i32
      %add3A_507 = arith.constant 5 : i32
      %add3A_508 = arith.addi %mul3A_506, %add3A_507 : i32
      %mul3A_509 = arith.constant 128 : i32
      %mul3A_510 = arith.muli %add3A_508, %mul3A_509 : i32
      %add3A_511 = arith.addi %mul3A_2, %mul3A_510 : i32
      %dma_wait3A_512 = arith.constant 0 : i32
      %dma_wait3A_513 = arith.constant 0 : i32
      %dma_wait3A_514 = tpu.memref_slice %arg4[%dma_wait3A_512, %dma_wait3A_513] : memref<1000000x64xf32, #tpu.memory_space<hbm>> -> memref<1000000x64xf32, #tpu.memory_space<hbm>>
      tpu.wait_indirect_dma semaphore(%arg44 : memref<!tpu.dma_semaphore, #tpu.memory_space<semaphore_mem>>) src(%dma_wait3A_514 : memref<1000000x64xf32, #tpu.memory_space<hbm>>) dst(%arg20 : memref<128x64xf32, #tpu.memory_space<vmem>>)
      %dma_start3A_515 = arith.constant 0 : i32
      %dma_start3A_516 = tpu.memref_slice %arg5[%add3A_511, %dma_start3A_515] : memref<819200x128xf32, #tpu.memory_space<hbm>> -> memref<128x64xf32, #tpu.memory_space<hbm>>
      %dma_start3A_517 = arith.constant 0 : i32
      %dma_start3A_518 = tpu.memref_slice %arg5[%add3A_511, %dma_start3A_517] : memref<819200x128xf32, #tpu.memory_space<hbm>> -> memref<128x64xf32, #tpu.memory_space<hbm>>
      tpu.enqueue_dma source(%arg20 : memref<128x64xf32, #tpu.memory_space<vmem>>) target(%dma_start3A_518 : memref<128x64xf32, #tpu.memory_space<hbm>>) target_semaphore(%arg44 : memref<!tpu.dma_semaphore, #tpu.memory_space<semaphore_mem>>)
      %mul3A_519 = arith.constant 8 : i32
      %mul3A_520 = arith.muli %scan3A_168, %mul3A_519 : i32
      %add3A_521 = arith.constant 6 : i32
      %add3A_522 = arith.addi %mul3A_520, %add3A_521 : i32
      %mul3A_523 = arith.constant 128 : i32
      %mul3A_524 = arith.muli %add3A_522, %mul3A_523 : i32
      %add3A_525 = arith.addi %mul3A_2, %mul3A_524 : i32
      %dma_wait3A_526 = arith.constant 0 : i32
      %dma_wait3A_527 = arith.constant 0 : i32
      %dma_wait3A_528 = tpu.memref_slice %arg4[%dma_wait3A_526, %dma_wait3A_527] : memref<1000000x64xf32, #tpu.memory_space<hbm>> -> memref<1000000x64xf32, #tpu.memory_space<hbm>>
      tpu.wait_indirect_dma semaphore(%arg45 : memref<!tpu.dma_semaphore, #tpu.memory_space<semaphore_mem>>) src(%dma_wait3A_528 : memref<1000000x64xf32, #tpu.memory_space<hbm>>) dst(%arg21 : memref<128x64xf32, #tpu.memory_space<vmem>>)
      %dma_start3A_529 = arith.constant 0 : i32
      %dma_start3A_530 = tpu.memref_slice %arg5[%add3A_525, %dma_start3A_529] : memref<819200x128xf32, #tpu.memory_space<hbm>> -> memref<128x64xf32, #tpu.memory_space<hbm>>
      %dma_start3A_531 = arith.constant 0 : i32
      %dma_start3A_532 = tpu.memref_slice %arg5[%add3A_525, %dma_start3A_531] : memref<819200x128xf32, #tpu.memory_space<hbm>> -> memref<128x64xf32, #tpu.memory_space<hbm>>
      tpu.enqueue_dma source(%arg21 : memref<128x64xf32, #tpu.memory_space<vmem>>) target(%dma_start3A_532 : memref<128x64xf32, #tpu.memory_space<hbm>>) target_semaphore(%arg45 : memref<!tpu.dma_semaphore, #tpu.memory_space<semaphore_mem>>)
      %mul3A_533 = arith.constant 8 : i32
      %mul3A_534 = arith.muli %scan3A_168, %mul3A_533 : i32
      %add3A_535 = arith.constant 7 : i32
      %add3A_536 = arith.addi %mul3A_534, %add3A_535 : i32
      %mul3A_537 = arith.constant 128 : i32
      %mul3A_538 = arith.muli %add3A_536, %mul3A_537 : i32
      %add3A_539 = arith.addi %mul3A_2, %mul3A_538 : i32
      %dma_wait3A_540 = arith.constant 0 : i32
      %dma_wait3A_541 = arith.constant 0 : i32
      %dma_wait3A_542 = tpu.memref_slice %arg4[%dma_wait3A_540, %dma_wait3A_541] : memref<1000000x64xf32, #tpu.memory_space<hbm>> -> memref<1000000x64xf32, #tpu.memory_space<hbm>>
      tpu.wait_indirect_dma semaphore(%arg46 : memref<!tpu.dma_semaphore, #tpu.memory_space<semaphore_mem>>) src(%dma_wait3A_542 : memref<1000000x64xf32, #tpu.memory_space<hbm>>) dst(%arg22 : memref<128x64xf32, #tpu.memory_space<vmem>>)
      %dma_start3A_543 = arith.constant 0 : i32
      %dma_start3A_544 = tpu.memref_slice %arg5[%add3A_539, %dma_start3A_543] : memref<819200x128xf32, #tpu.memory_space<hbm>> -> memref<128x64xf32, #tpu.memory_space<hbm>>
      %dma_start3A_545 = arith.constant 0 : i32
      %dma_start3A_546 = tpu.memref_slice %arg5[%add3A_539, %dma_start3A_545] : memref<819200x128xf32, #tpu.memory_space<hbm>> -> memref<128x64xf32, #tpu.memory_space<hbm>>
      tpu.enqueue_dma source(%arg22 : memref<128x64xf32, #tpu.memory_space<vmem>>) target(%dma_start3A_546 : memref<128x64xf32, #tpu.memory_space<hbm>>) target_semaphore(%arg46 : memref<!tpu.dma_semaphore, #tpu.memory_space<semaphore_mem>>)
      %mul3A_547 = arith.constant 8 : i32
      %mul3A_548 = arith.muli %scan3A_168, %mul3A_547 : i32
      %add3A_549 = arith.constant 0 : i32
      %add3A_550 = arith.addi %mul3A_548, %add3A_549 : i32
      %mul3A_551 = arith.constant 128 : i32
      %mul3A_552 = arith.muli %add3A_550, %mul3A_551 : i32
      %add3A_553 = arith.addi %mul3A_2, %mul3A_552 : i32
      %dma_wait3A_554 = arith.constant 0 : i32
      %dma_wait3A_555 = tpu.memref_slice %arg5[%add3A_553, %dma_wait3A_554] : memref<819200x128xf32, #tpu.memory_space<hbm>> -> memref<128x64xf32, #tpu.memory_space<hbm>>
      %dma_wait3A_556 = arith.constant 0 : i32
      %dma_wait3A_557 = tpu.memref_slice %arg5[%add3A_553, %dma_wait3A_556] : memref<819200x128xf32, #tpu.memory_space<hbm>> -> memref<128x64xf32, #tpu.memory_space<hbm>>
      tpu.wait_dma2 semaphore(%arg39 : memref<!tpu.dma_semaphore, #tpu.memory_space<semaphore_mem>>) src(%arg15 : memref<128x64xf32, #tpu.memory_space<vmem>>) dst(%dma_wait3A_557 : memref<128x64xf32, #tpu.memory_space<hbm>>)
      %add3A_558 = arith.constant 1 : i32
      %add3A_559 = arith.addi %scan3A_168, %add3A_558 : i32
      %mul3A_560 = arith.constant 8 : i32
      %mul3A_561 = arith.muli %add3A_559, %mul3A_560 : i32
      %add3A_562 = arith.constant 0 : i32
      %add3A_563 = arith.addi %mul3A_561, %add3A_562 : i32
      %min3A = arith.constant 199 : i32
      %min3A_564 = arith.minsi %add3A_563, %min3A : i32
      %mul3A_565 = arith.constant 128 : i32
      %mul3A_566 = arith.muli %min3A_564, %mul3A_565 : i32
      %add3A_567 = arith.addi %mul3A_2, %mul3A_566 : i32
      %mul3A_568 = arith.constant 128 : i32
      %mul3A_569 = arith.muli %min3A_564, %mul3A_568 : i32
      %jit3A_570 = arith.constant 200 : i32
      %eq3A_571 = arith.constant 0 : i32
      %eq3A_572 = arith.cmpi eq, %jit3A_570, %eq3A_571 : i32
      %jit3A_573 = arith.constant 1 : i32
      %select_n3A_574 = arith.select %eq3A_572, %jit3A_573, %jit3A_570 : i32
      %rem3A_575 = arith.remsi %mul3A_569, %select_n3A_574 : i32
      %ne3A_576 = arith.constant 0 : i32
      %ne3A_577 = arith.cmpi ne, %rem3A_575, %ne3A_576 : i32
      %lt3A_578 = arith.constant 0 : i32
      %lt3A_579 = arith.cmpi slt, %rem3A_575, %lt3A_578 : i32
      %lt3A_580 = arith.constant 0 : i32
      %lt3A_581 = arith.cmpi slt, %select_n3A_574, %lt3A_580 : i32
      %ne3A_582 = arith.xori %lt3A_579, %lt3A_581 : i1
      %and3A_583 = arith.andi %ne3A_582, %ne3A_577 : i1
      %add3A_584 = arith.addi %rem3A_575, %select_n3A_574 : i32
      %select_n3A_585 = arith.select %and3A_583, %add3A_584, %rem3A_575 : i32
      %dma_start3A_586 = tpu.memref_slice %arg2[%add3A_567] : memref<819200xi32, #tpu.memory_space<hbm>> -> memref<128xi32, #tpu.memory_space<hbm>>
      %dma_start3A_587 = tpu.memref_slice %arg2[%add3A_567] : memref<819200xi32, #tpu.memory_space<hbm>> -> memref<128xi32, #tpu.memory_space<hbm>>
      tpu.enqueue_dma source(%dma_start3A_587 : memref<128xi32, #tpu.memory_space<hbm>>) target(%arg7 : memref<128xi32, #tpu.memory_space<vmem>>) target_semaphore(%arg23 : memref<!tpu.dma_semaphore, #tpu.memory_space<semaphore_mem>>)
      %dma_start3A_588 = arith.constant 0 : i32
      %dma_start3A_589 = tpu.memref_slice %arg6[%select_n3A_585, %dma_start3A_588] : memref<320x64xf32, #tpu.memory_space<vmem_shared>> -> memref<128x64xf32, #tpu.memory_space<vmem_shared>>
      %dma_start3A_590 = arith.constant 0 : i32
      %dma_start3A_591 = tpu.memref_slice %arg6[%select_n3A_585, %dma_start3A_590] : memref<320x64xf32, #tpu.memory_space<vmem_shared>> -> memref<128x64xf32, #tpu.memory_space<vmem_shared>>
      tpu.enqueue_dma source(%dma_start3A_591 : memref<128x64xf32, #tpu.memory_space<vmem_shared>>) target(%arg15 : memref<128x64xf32, #tpu.memory_space<vmem>>) target_semaphore(%arg31 : memref<!tpu.dma_semaphore, #tpu.memory_space<semaphore_mem>>)
      %mul3A_592 = arith.constant 8 : i32
      %mul3A_593 = arith.muli %scan3A_168, %mul3A_592 : i32
      %add3A_594 = arith.constant 1 : i32
      %add3A_595 = arith.addi %mul3A_593, %add3A_594 : i32
      %mul3A_596 = arith.constant 128 : i32
      %mul3A_597 = arith.muli %add3A_595, %mul3A_596 : i32
      %add3A_598 = arith.addi %mul3A_2, %mul3A_597 : i32
      %dma_wait3A_599 = arith.constant 0 : i32
      %dma_wait3A_600 = tpu.memref_slice %arg5[%add3A_598, %dma_wait3A_599] : memref<819200x128xf32, #tpu.memory_space<hbm>> -> memref<128x64xf32, #tpu.memory_space<hbm>>
      %dma_wait3A_601 = arith.constant 0 : i32
      %dma_wait3A_602 = tpu.memref_slice %arg5[%add3A_598, %dma_wait3A_601] : memref<819200x128xf32, #tpu.memory_space<hbm>> -> memref<128x64xf32, #tpu.memory_space<hbm>>
      tpu.wait_dma2 semaphore(%arg40 : memref<!tpu.dma_semaphore, #tpu.memory_space<semaphore_mem>>) src(%arg16 : memref<128x64xf32, #tpu.memory_space<vmem>>) dst(%dma_wait3A_602 : memref<128x64xf32, #tpu.memory_space<hbm>>)
      %add3A_603 = arith.constant 1 : i32
      %add3A_604 = arith.addi %scan3A_168, %add3A_603 : i32
      %mul3A_605 = arith.constant 8 : i32
      %mul3A_606 = arith.muli %add3A_604, %mul3A_605 : i32
      %add3A_607 = arith.constant 1 : i32
      %add3A_608 = arith.addi %mul3A_606, %add3A_607 : i32
      %min3A_609 = arith.constant 199 : i32
      %min3A_610 = arith.minsi %add3A_608, %min3A_609 : i32
      %mul3A_611 = arith.constant 128 : i32
      %mul3A_612 = arith.muli %min3A_610, %mul3A_611 : i32
      %add3A_613 = arith.addi %mul3A_2, %mul3A_612 : i32
      %mul3A_614 = arith.constant 128 : i32
      %mul3A_615 = arith.muli %min3A_610, %mul3A_614 : i32
      %jit3A_616 = arith.constant 200 : i32
      %eq3A_617 = arith.constant 0 : i32
      %eq3A_618 = arith.cmpi eq, %jit3A_616, %eq3A_617 : i32
      %jit3A_619 = arith.constant 1 : i32
      %select_n3A_620 = arith.select %eq3A_618, %jit3A_619, %jit3A_616 : i32
      %rem3A_621 = arith.remsi %mul3A_615, %select_n3A_620 : i32
      %ne3A_622 = arith.constant 0 : i32
      %ne3A_623 = arith.cmpi ne, %rem3A_621, %ne3A_622 : i32
      %lt3A_624 = arith.constant 0 : i32
      %lt3A_625 = arith.cmpi slt, %rem3A_621, %lt3A_624 : i32
      %lt3A_626 = arith.constant 0 : i32
      %lt3A_627 = arith.cmpi slt, %select_n3A_620, %lt3A_626 : i32
      %ne3A_628 = arith.xori %lt3A_625, %lt3A_627 : i1
      %and3A_629 = arith.andi %ne3A_628, %ne3A_623 : i1
      %add3A_630 = arith.addi %rem3A_621, %select_n3A_620 : i32
      %select_n3A_631 = arith.select %and3A_629, %add3A_630, %rem3A_621 : i32
      %dma_start3A_632 = tpu.memref_slice %arg2[%add3A_613] : memref<819200xi32, #tpu.memory_space<hbm>> -> memref<128xi32, #tpu.memory_space<hbm>>
      %dma_start3A_633 = tpu.memref_slice %arg2[%add3A_613] : memref<819200xi32, #tpu.memory_space<hbm>> -> memref<128xi32, #tpu.memory_space<hbm>>
      tpu.enqueue_dma source(%dma_start3A_633 : memref<128xi32, #tpu.memory_space<hbm>>) target(%arg8 : memref<128xi32, #tpu.memory_space<vmem>>) target_semaphore(%arg24 : memref<!tpu.dma_semaphore, #tpu.memory_space<semaphore_mem>>)
      %dma_start3A_634 = arith.constant 0 : i32
      %dma_start3A_635 = tpu.memref_slice %arg6[%select_n3A_631, %dma_start3A_634] : memref<320x64xf32, #tpu.memory_space<vmem_shared>> -> memref<128x64xf32, #tpu.memory_space<vmem_shared>>
      %dma_start3A_636 = arith.constant 0 : i32
      %dma_start3A_637 = tpu.memref_slice %arg6[%select_n3A_631, %dma_start3A_636] : memref<320x64xf32, #tpu.memory_space<vmem_shared>> -> memref<128x64xf32, #tpu.memory_space<vmem_shared>>
      tpu.enqueue_dma source(%dma_start3A_637 : memref<128x64xf32, #tpu.memory_space<vmem_shared>>) target(%arg16 : memref<128x64xf32, #tpu.memory_space<vmem>>) target_semaphore(%arg32 : memref<!tpu.dma_semaphore, #tpu.memory_space<semaphore_mem>>)
      %mul3A_638 = arith.constant 8 : i32
      %mul3A_639 = arith.muli %scan3A_168, %mul3A_638 : i32
      %add3A_640 = arith.constant 2 : i32
      %add3A_641 = arith.addi %mul3A_639, %add3A_640 : i32
      %mul3A_642 = arith.constant 128 : i32
      %mul3A_643 = arith.muli %add3A_641, %mul3A_642 : i32
      %add3A_644 = arith.addi %mul3A_2, %mul3A_643 : i32
      %dma_wait3A_645 = arith.constant 0 : i32
      %dma_wait3A_646 = tpu.memref_slice %arg5[%add3A_644, %dma_wait3A_645] : memref<819200x128xf32, #tpu.memory_space<hbm>> -> memref<128x64xf32, #tpu.memory_space<hbm>>
      %dma_wait3A_647 = arith.constant 0 : i32
      %dma_wait3A_648 = tpu.memref_slice %arg5[%add3A_644, %dma_wait3A_647] : memref<819200x128xf32, #tpu.memory_space<hbm>> -> memref<128x64xf32, #tpu.memory_space<hbm>>
      tpu.wait_dma2 semaphore(%arg41 : memref<!tpu.dma_semaphore, #tpu.memory_space<semaphore_mem>>) src(%arg17 : memref<128x64xf32, #tpu.memory_space<vmem>>) dst(%dma_wait3A_648 : memref<128x64xf32, #tpu.memory_space<hbm>>)
      %add3A_649 = arith.constant 1 : i32
      %add3A_650 = arith.addi %scan3A_168, %add3A_649 : i32
      %mul3A_651 = arith.constant 8 : i32
      %mul3A_652 = arith.muli %add3A_650, %mul3A_651 : i32
      %add3A_653 = arith.constant 2 : i32
      %add3A_654 = arith.addi %mul3A_652, %add3A_653 : i32
      %min3A_655 = arith.constant 199 : i32
      %min3A_656 = arith.minsi %add3A_654, %min3A_655 : i32
      %mul3A_657 = arith.constant 128 : i32
      %mul3A_658 = arith.muli %min3A_656, %mul3A_657 : i32
      %add3A_659 = arith.addi %mul3A_2, %mul3A_658 : i32
      %mul3A_660 = arith.constant 128 : i32
      %mul3A_661 = arith.muli %min3A_656, %mul3A_660 : i32
      %jit3A_662 = arith.constant 200 : i32
      %eq3A_663 = arith.constant 0 : i32
      %eq3A_664 = arith.cmpi eq, %jit3A_662, %eq3A_663 : i32
      %jit3A_665 = arith.constant 1 : i32
      %select_n3A_666 = arith.select %eq3A_664, %jit3A_665, %jit3A_662 : i32
      %rem3A_667 = arith.remsi %mul3A_661, %select_n3A_666 : i32
      %ne3A_668 = arith.constant 0 : i32
      %ne3A_669 = arith.cmpi ne, %rem3A_667, %ne3A_668 : i32
      %lt3A_670 = arith.constant 0 : i32
      %lt3A_671 = arith.cmpi slt, %rem3A_667, %lt3A_670 : i32
      %lt3A_672 = arith.constant 0 : i32
      %lt3A_673 = arith.cmpi slt, %select_n3A_666, %lt3A_672 : i32
      %ne3A_674 = arith.xori %lt3A_671, %lt3A_673 : i1
      %and3A_675 = arith.andi %ne3A_674, %ne3A_669 : i1
      %add3A_676 = arith.addi %rem3A_667, %select_n3A_666 : i32
      %select_n3A_677 = arith.select %and3A_675, %add3A_676, %rem3A_667 : i32
      %dma_start3A_678 = tpu.memref_slice %arg2[%add3A_659] : memref<819200xi32, #tpu.memory_space<hbm>> -> memref<128xi32, #tpu.memory_space<hbm>>
      %dma_start3A_679 = tpu.memref_slice %arg2[%add3A_659] : memref<819200xi32, #tpu.memory_space<hbm>> -> memref<128xi32, #tpu.memory_space<hbm>>
      tpu.enqueue_dma source(%dma_start3A_679 : memref<128xi32, #tpu.memory_space<hbm>>) target(%arg9 : memref<128xi32, #tpu.memory_space<vmem>>) target_semaphore(%arg25 : memref<!tpu.dma_semaphore, #tpu.memory_space<semaphore_mem>>)
      %dma_start3A_680 = arith.constant 0 : i32
      %dma_start3A_681 = tpu.memref_slice %arg6[%select_n3A_677, %dma_start3A_680] : memref<320x64xf32, #tpu.memory_space<vmem_shared>> -> memref<128x64xf32, #tpu.memory_space<vmem_shared>>
      %dma_start3A_682 = arith.constant 0 : i32
      %dma_start3A_683 = tpu.memref_slice %arg6[%select_n3A_677, %dma_start3A_682] : memref<320x64xf32, #tpu.memory_space<vmem_shared>> -> memref<128x64xf32, #tpu.memory_space<vmem_shared>>
      tpu.enqueue_dma source(%dma_start3A_683 : memref<128x64xf32, #tpu.memory_space<vmem_shared>>) target(%arg17 : memref<128x64xf32, #tpu.memory_space<vmem>>) target_semaphore(%arg33 : memref<!tpu.dma_semaphore, #tpu.memory_space<semaphore_mem>>)
      %mul3A_684 = arith.constant 8 : i32
      %mul3A_685 = arith.muli %scan3A_168, %mul3A_684 : i32
      %add3A_686 = arith.constant 3 : i32
      %add3A_687 = arith.addi %mul3A_685, %add3A_686 : i32
      %mul3A_688 = arith.constant 128 : i32
      %mul3A_689 = arith.muli %add3A_687, %mul3A_688 : i32
      %add3A_690 = arith.addi %mul3A_2, %mul3A_689 : i32
      %dma_wait3A_691 = arith.constant 0 : i32
      %dma_wait3A_692 = tpu.memref_slice %arg5[%add3A_690, %dma_wait3A_691] : memref<819200x128xf32, #tpu.memory_space<hbm>> -> memref<128x64xf32, #tpu.memory_space<hbm>>
      %dma_wait3A_693 = arith.constant 0 : i32
      %dma_wait3A_694 = tpu.memref_slice %arg5[%add3A_690, %dma_wait3A_693] : memref<819200x128xf32, #tpu.memory_space<hbm>> -> memref<128x64xf32, #tpu.memory_space<hbm>>
      tpu.wait_dma2 semaphore(%arg42 : memref<!tpu.dma_semaphore, #tpu.memory_space<semaphore_mem>>) src(%arg18 : memref<128x64xf32, #tpu.memory_space<vmem>>) dst(%dma_wait3A_694 : memref<128x64xf32, #tpu.memory_space<hbm>>)
      %add3A_695 = arith.constant 1 : i32
      %add3A_696 = arith.addi %scan3A_168, %add3A_695 : i32
      %mul3A_697 = arith.constant 8 : i32
      %mul3A_698 = arith.muli %add3A_696, %mul3A_697 : i32
      %add3A_699 = arith.constant 3 : i32
      %add3A_700 = arith.addi %mul3A_698, %add3A_699 : i32
      %min3A_701 = arith.constant 199 : i32
      %min3A_702 = arith.minsi %add3A_700, %min3A_701 : i32
      %mul3A_703 = arith.constant 128 : i32
      %mul3A_704 = arith.muli %min3A_702, %mul3A_703 : i32
      %add3A_705 = arith.addi %mul3A_2, %mul3A_704 : i32
      %mul3A_706 = arith.constant 128 : i32
      %mul3A_707 = arith.muli %min3A_702, %mul3A_706 : i32
      %jit3A_708 = arith.constant 200 : i32
      %eq3A_709 = arith.constant 0 : i32
      %eq3A_710 = arith.cmpi eq, %jit3A_708, %eq3A_709 : i32
      %jit3A_711 = arith.constant 1 : i32
      %select_n3A_712 = arith.select %eq3A_710, %jit3A_711, %jit3A_708 : i32
      %rem3A_713 = arith.remsi %mul3A_707, %select_n3A_712 : i32
      %ne3A_714 = arith.constant 0 : i32
      %ne3A_715 = arith.cmpi ne, %rem3A_713, %ne3A_714 : i32
      %lt3A_716 = arith.constant 0 : i32
      %lt3A_717 = arith.cmpi slt, %rem3A_713, %lt3A_716 : i32
      %lt3A_718 = arith.constant 0 : i32
      %lt3A_719 = arith.cmpi slt, %select_n3A_712, %lt3A_718 : i32
      %ne3A_720 = arith.xori %lt3A_717, %lt3A_719 : i1
      %and3A_721 = arith.andi %ne3A_720, %ne3A_715 : i1
      %add3A_722 = arith.addi %rem3A_713, %select_n3A_712 : i32
      %select_n3A_723 = arith.select %and3A_721, %add3A_722, %rem3A_713 : i32
      %dma_start3A_724 = tpu.memref_slice %arg2[%add3A_705] : memref<819200xi32, #tpu.memory_space<hbm>> -> memref<128xi32, #tpu.memory_space<hbm>>
      %dma_start3A_725 = tpu.memref_slice %arg2[%add3A_705] : memref<819200xi32, #tpu.memory_space<hbm>> -> memref<128xi32, #tpu.memory_space<hbm>>
      tpu.enqueue_dma source(%dma_start3A_725 : memref<128xi32, #tpu.memory_space<hbm>>) target(%arg10 : memref<128xi32, #tpu.memory_space<vmem>>) target_semaphore(%arg26 : memref<!tpu.dma_semaphore, #tpu.memory_space<semaphore_mem>>)
      %dma_start3A_726 = arith.constant 0 : i32
      %dma_start3A_727 = tpu.memref_slice %arg6[%select_n3A_723, %dma_start3A_726] : memref<320x64xf32, #tpu.memory_space<vmem_shared>> -> memref<128x64xf32, #tpu.memory_space<vmem_shared>>
      %dma_start3A_728 = arith.constant 0 : i32
      %dma_start3A_729 = tpu.memref_slice %arg6[%select_n3A_723, %dma_start3A_728] : memref<320x64xf32, #tpu.memory_space<vmem_shared>> -> memref<128x64xf32, #tpu.memory_space<vmem_shared>>
      tpu.enqueue_dma source(%dma_start3A_729 : memref<128x64xf32, #tpu.memory_space<vmem_shared>>) target(%arg18 : memref<128x64xf32, #tpu.memory_space<vmem>>) target_semaphore(%arg34 : memref<!tpu.dma_semaphore, #tpu.memory_space<semaphore_mem>>)
      %mul3A_730 = arith.constant 8 : i32
      %mul3A_731 = arith.muli %scan3A_168, %mul3A_730 : i32
      %add3A_732 = arith.constant 4 : i32
      %add3A_733 = arith.addi %mul3A_731, %add3A_732 : i32
      %mul3A_734 = arith.constant 128 : i32
      %mul3A_735 = arith.muli %add3A_733, %mul3A_734 : i32
      %add3A_736 = arith.addi %mul3A_2, %mul3A_735 : i32
      %dma_wait3A_737 = arith.constant 0 : i32
      %dma_wait3A_738 = tpu.memref_slice %arg5[%add3A_736, %dma_wait3A_737] : memref<819200x128xf32, #tpu.memory_space<hbm>> -> memref<128x64xf32, #tpu.memory_space<hbm>>
      %dma_wait3A_739 = arith.constant 0 : i32
      %dma_wait3A_740 = tpu.memref_slice %arg5[%add3A_736, %dma_wait3A_739] : memref<819200x128xf32, #tpu.memory_space<hbm>> -> memref<128x64xf32, #tpu.memory_space<hbm>>
      tpu.wait_dma2 semaphore(%arg43 : memref<!tpu.dma_semaphore, #tpu.memory_space<semaphore_mem>>) src(%arg19 : memref<128x64xf32, #tpu.memory_space<vmem>>) dst(%dma_wait3A_740 : memref<128x64xf32, #tpu.memory_space<hbm>>)
      %add3A_741 = arith.constant 1 : i32
      %add3A_742 = arith.addi %scan3A_168, %add3A_741 : i32
      %mul3A_743 = arith.constant 8 : i32
      %mul3A_744 = arith.muli %add3A_742, %mul3A_743 : i32
      %add3A_745 = arith.constant 4 : i32
      %add3A_746 = arith.addi %mul3A_744, %add3A_745 : i32
      %min3A_747 = arith.constant 199 : i32
      %min3A_748 = arith.minsi %add3A_746, %min3A_747 : i32
      %mul3A_749 = arith.constant 128 : i32
      %mul3A_750 = arith.muli %min3A_748, %mul3A_749 : i32
      %add3A_751 = arith.addi %mul3A_2, %mul3A_750 : i32
      %mul3A_752 = arith.constant 128 : i32
      %mul3A_753 = arith.muli %min3A_748, %mul3A_752 : i32
      %jit3A_754 = arith.constant 200 : i32
      %eq3A_755 = arith.constant 0 : i32
      %eq3A_756 = arith.cmpi eq, %jit3A_754, %eq3A_755 : i32
      %jit3A_757 = arith.constant 1 : i32
      %select_n3A_758 = arith.select %eq3A_756, %jit3A_757, %jit3A_754 : i32
      %rem3A_759 = arith.remsi %mul3A_753, %select_n3A_758 : i32
      %ne3A_760 = arith.constant 0 : i32
      %ne3A_761 = arith.cmpi ne, %rem3A_759, %ne3A_760 : i32
      %lt3A_762 = arith.constant 0 : i32
      %lt3A_763 = arith.cmpi slt, %rem3A_759, %lt3A_762 : i32
      %lt3A_764 = arith.constant 0 : i32
      %lt3A_765 = arith.cmpi slt, %select_n3A_758, %lt3A_764 : i32
      %ne3A_766 = arith.xori %lt3A_763, %lt3A_765 : i1
      %and3A_767 = arith.andi %ne3A_766, %ne3A_761 : i1
      %add3A_768 = arith.addi %rem3A_759, %select_n3A_758 : i32
      %select_n3A_769 = arith.select %and3A_767, %add3A_768, %rem3A_759 : i32
      %dma_start3A_770 = tpu.memref_slice %arg2[%add3A_751] : memref<819200xi32, #tpu.memory_space<hbm>> -> memref<128xi32, #tpu.memory_space<hbm>>
      %dma_start3A_771 = tpu.memref_slice %arg2[%add3A_751] : memref<819200xi32, #tpu.memory_space<hbm>> -> memref<128xi32, #tpu.memory_space<hbm>>
      tpu.enqueue_dma source(%dma_start3A_771 : memref<128xi32, #tpu.memory_space<hbm>>) target(%arg11 : memref<128xi32, #tpu.memory_space<vmem>>) target_semaphore(%arg27 : memref<!tpu.dma_semaphore, #tpu.memory_space<semaphore_mem>>)
      %dma_start3A_772 = arith.constant 0 : i32
      %dma_start3A_773 = tpu.memref_slice %arg6[%select_n3A_769, %dma_start3A_772] : memref<320x64xf32, #tpu.memory_space<vmem_shared>> -> memref<128x64xf32, #tpu.memory_space<vmem_shared>>
      %dma_start3A_774 = arith.constant 0 : i32
      %dma_start3A_775 = tpu.memref_slice %arg6[%select_n3A_769, %dma_start3A_774] : memref<320x64xf32, #tpu.memory_space<vmem_shared>> -> memref<128x64xf32, #tpu.memory_space<vmem_shared>>
      tpu.enqueue_dma source(%dma_start3A_775 : memref<128x64xf32, #tpu.memory_space<vmem_shared>>) target(%arg19 : memref<128x64xf32, #tpu.memory_space<vmem>>) target_semaphore(%arg35 : memref<!tpu.dma_semaphore, #tpu.memory_space<semaphore_mem>>)
      %mul3A_776 = arith.constant 8 : i32
      %mul3A_777 = arith.muli %scan3A_168, %mul3A_776 : i32
      %add3A_778 = arith.constant 5 : i32
      %add3A_779 = arith.addi %mul3A_777, %add3A_778 : i32
      %mul3A_780 = arith.constant 128 : i32
      %mul3A_781 = arith.muli %add3A_779, %mul3A_780 : i32
      %add3A_782 = arith.addi %mul3A_2, %mul3A_781 : i32
      %dma_wait3A_783 = arith.constant 0 : i32
      %dma_wait3A_784 = tpu.memref_slice %arg5[%add3A_782, %dma_wait3A_783] : memref<819200x128xf32, #tpu.memory_space<hbm>> -> memref<128x64xf32, #tpu.memory_space<hbm>>
      %dma_wait3A_785 = arith.constant 0 : i32
      %dma_wait3A_786 = tpu.memref_slice %arg5[%add3A_782, %dma_wait3A_785] : memref<819200x128xf32, #tpu.memory_space<hbm>> -> memref<128x64xf32, #tpu.memory_space<hbm>>
      tpu.wait_dma2 semaphore(%arg44 : memref<!tpu.dma_semaphore, #tpu.memory_space<semaphore_mem>>) src(%arg20 : memref<128x64xf32, #tpu.memory_space<vmem>>) dst(%dma_wait3A_786 : memref<128x64xf32, #tpu.memory_space<hbm>>)
      %add3A_787 = arith.constant 1 : i32
      %add3A_788 = arith.addi %scan3A_168, %add3A_787 : i32
      %mul3A_789 = arith.constant 8 : i32
      %mul3A_790 = arith.muli %add3A_788, %mul3A_789 : i32
      %add3A_791 = arith.constant 5 : i32
      %add3A_792 = arith.addi %mul3A_790, %add3A_791 : i32
      %min3A_793 = arith.constant 199 : i32
      %min3A_794 = arith.minsi %add3A_792, %min3A_793 : i32
      %mul3A_795 = arith.constant 128 : i32
      %mul3A_796 = arith.muli %min3A_794, %mul3A_795 : i32
      %add3A_797 = arith.addi %mul3A_2, %mul3A_796 : i32
      %mul3A_798 = arith.constant 128 : i32
      %mul3A_799 = arith.muli %min3A_794, %mul3A_798 : i32
      %jit3A_800 = arith.constant 200 : i32
      %eq3A_801 = arith.constant 0 : i32
      %eq3A_802 = arith.cmpi eq, %jit3A_800, %eq3A_801 : i32
      %jit3A_803 = arith.constant 1 : i32
      %select_n3A_804 = arith.select %eq3A_802, %jit3A_803, %jit3A_800 : i32
      %rem3A_805 = arith.remsi %mul3A_799, %select_n3A_804 : i32
      %ne3A_806 = arith.constant 0 : i32
      %ne3A_807 = arith.cmpi ne, %rem3A_805, %ne3A_806 : i32
      %lt3A_808 = arith.constant 0 : i32
      %lt3A_809 = arith.cmpi slt, %rem3A_805, %lt3A_808 : i32
      %lt3A_810 = arith.constant 0 : i32
      %lt3A_811 = arith.cmpi slt, %select_n3A_804, %lt3A_810 : i32
      %ne3A_812 = arith.xori %lt3A_809, %lt3A_811 : i1
      %and3A_813 = arith.andi %ne3A_812, %ne3A_807 : i1
      %add3A_814 = arith.addi %rem3A_805, %select_n3A_804 : i32
      %select_n3A_815 = arith.select %and3A_813, %add3A_814, %rem3A_805 : i32
      %dma_start3A_816 = tpu.memref_slice %arg2[%add3A_797] : memref<819200xi32, #tpu.memory_space<hbm>> -> memref<128xi32, #tpu.memory_space<hbm>>
      %dma_start3A_817 = tpu.memref_slice %arg2[%add3A_797] : memref<819200xi32, #tpu.memory_space<hbm>> -> memref<128xi32, #tpu.memory_space<hbm>>
      tpu.enqueue_dma source(%dma_start3A_817 : memref<128xi32, #tpu.memory_space<hbm>>) target(%arg12 : memref<128xi32, #tpu.memory_space<vmem>>) target_semaphore(%arg28 : memref<!tpu.dma_semaphore, #tpu.memory_space<semaphore_mem>>)
      %dma_start3A_818 = arith.constant 0 : i32
      %dma_start3A_819 = tpu.memref_slice %arg6[%select_n3A_815, %dma_start3A_818] : memref<320x64xf32, #tpu.memory_space<vmem_shared>> -> memref<128x64xf32, #tpu.memory_space<vmem_shared>>
      %dma_start3A_820 = arith.constant 0 : i32
      %dma_start3A_821 = tpu.memref_slice %arg6[%select_n3A_815, %dma_start3A_820] : memref<320x64xf32, #tpu.memory_space<vmem_shared>> -> memref<128x64xf32, #tpu.memory_space<vmem_shared>>
      tpu.enqueue_dma source(%dma_start3A_821 : memref<128x64xf32, #tpu.memory_space<vmem_shared>>) target(%arg20 : memref<128x64xf32, #tpu.memory_space<vmem>>) target_semaphore(%arg36 : memref<!tpu.dma_semaphore, #tpu.memory_space<semaphore_mem>>)
      %mul3A_822 = arith.constant 8 : i32
      %mul3A_823 = arith.muli %scan3A_168, %mul3A_822 : i32
      %add3A_824 = arith.constant 6 : i32
      %add3A_825 = arith.addi %mul3A_823, %add3A_824 : i32
      %mul3A_826 = arith.constant 128 : i32
      %mul3A_827 = arith.muli %add3A_825, %mul3A_826 : i32
      %add3A_828 = arith.addi %mul3A_2, %mul3A_827 : i32
      %dma_wait3A_829 = arith.constant 0 : i32
      %dma_wait3A_830 = tpu.memref_slice %arg5[%add3A_828, %dma_wait3A_829] : memref<819200x128xf32, #tpu.memory_space<hbm>> -> memref<128x64xf32, #tpu.memory_space<hbm>>
      %dma_wait3A_831 = arith.constant 0 : i32
      %dma_wait3A_832 = tpu.memref_slice %arg5[%add3A_828, %dma_wait3A_831] : memref<819200x128xf32, #tpu.memory_space<hbm>> -> memref<128x64xf32, #tpu.memory_space<hbm>>
      tpu.wait_dma2 semaphore(%arg45 : memref<!tpu.dma_semaphore, #tpu.memory_space<semaphore_mem>>) src(%arg21 : memref<128x64xf32, #tpu.memory_space<vmem>>) dst(%dma_wait3A_832 : memref<128x64xf32, #tpu.memory_space<hbm>>)
      %add3A_833 = arith.constant 1 : i32
      %add3A_834 = arith.addi %scan3A_168, %add3A_833 : i32
      %mul3A_835 = arith.constant 8 : i32
      %mul3A_836 = arith.muli %add3A_834, %mul3A_835 : i32
      %add3A_837 = arith.constant 6 : i32
      %add3A_838 = arith.addi %mul3A_836, %add3A_837 : i32
      %min3A_839 = arith.constant 199 : i32
      %min3A_840 = arith.minsi %add3A_838, %min3A_839 : i32
      %mul3A_841 = arith.constant 128 : i32
      %mul3A_842 = arith.muli %min3A_840, %mul3A_841 : i32
      %add3A_843 = arith.addi %mul3A_2, %mul3A_842 : i32
      %mul3A_844 = arith.constant 128 : i32
      %mul3A_845 = arith.muli %min3A_840, %mul3A_844 : i32
      %jit3A_846 = arith.constant 200 : i32
      %eq3A_847 = arith.constant 0 : i32
      %eq3A_848 = arith.cmpi eq, %jit3A_846, %eq3A_847 : i32
      %jit3A_849 = arith.constant 1 : i32
      %select_n3A_850 = arith.select %eq3A_848, %jit3A_849, %jit3A_846 : i32
      %rem3A_851 = arith.remsi %mul3A_845, %select_n3A_850 : i32
      %ne3A_852 = arith.constant 0 : i32
      %ne3A_853 = arith.cmpi ne, %rem3A_851, %ne3A_852 : i32
      %lt3A_854 = arith.constant 0 : i32
      %lt3A_855 = arith.cmpi slt, %rem3A_851, %lt3A_854 : i32
      %lt3A_856 = arith.constant 0 : i32
      %lt3A_857 = arith.cmpi slt, %select_n3A_850, %lt3A_856 : i32
      %ne3A_858 = arith.xori %lt3A_855, %lt3A_857 : i1
      %and3A_859 = arith.andi %ne3A_858, %ne3A_853 : i1
      %add3A_860 = arith.addi %rem3A_851, %select_n3A_850 : i32
      %select_n3A_861 = arith.select %and3A_859, %add3A_860, %rem3A_851 : i32
      %dma_start3A_862 = tpu.memref_slice %arg2[%add3A_843] : memref<819200xi32, #tpu.memory_space<hbm>> -> memref<128xi32, #tpu.memory_space<hbm>>
      %dma_start3A_863 = tpu.memref_slice %arg2[%add3A_843] : memref<819200xi32, #tpu.memory_space<hbm>> -> memref<128xi32, #tpu.memory_space<hbm>>
      tpu.enqueue_dma source(%dma_start3A_863 : memref<128xi32, #tpu.memory_space<hbm>>) target(%arg13 : memref<128xi32, #tpu.memory_space<vmem>>) target_semaphore(%arg29 : memref<!tpu.dma_semaphore, #tpu.memory_space<semaphore_mem>>)
      %dma_start3A_864 = arith.constant 0 : i32
      %dma_start3A_865 = tpu.memref_slice %arg6[%select_n3A_861, %dma_start3A_864] : memref<320x64xf32, #tpu.memory_space<vmem_shared>> -> memref<128x64xf32, #tpu.memory_space<vmem_shared>>
      %dma_start3A_866 = arith.constant 0 : i32
      %dma_start3A_867 = tpu.memref_slice %arg6[%select_n3A_861, %dma_start3A_866] : memref<320x64xf32, #tpu.memory_space<vmem_shared>> -> memref<128x64xf32, #tpu.memory_space<vmem_shared>>
      tpu.enqueue_dma source(%dma_start3A_867 : memref<128x64xf32, #tpu.memory_space<vmem_shared>>) target(%arg21 : memref<128x64xf32, #tpu.memory_space<vmem>>) target_semaphore(%arg37 : memref<!tpu.dma_semaphore, #tpu.memory_space<semaphore_mem>>)
      %mul3A_868 = arith.constant 8 : i32
      %mul3A_869 = arith.muli %scan3A_168, %mul3A_868 : i32
      %add3A_870 = arith.constant 7 : i32
      %add3A_871 = arith.addi %mul3A_869, %add3A_870 : i32
      %mul3A_872 = arith.constant 128 : i32
      %mul3A_873 = arith.muli %add3A_871, %mul3A_872 : i32
      %add3A_874 = arith.addi %mul3A_2, %mul3A_873 : i32
      %dma_wait3A_875 = arith.constant 0 : i32
      %dma_wait3A_876 = tpu.memref_slice %arg5[%add3A_874, %dma_wait3A_875] : memref<819200x128xf32, #tpu.memory_space<hbm>> -> memref<128x64xf32, #tpu.memory_space<hbm>>
      %dma_wait3A_877 = arith.constant 0 : i32
      %dma_wait3A_878 = tpu.memref_slice %arg5[%add3A_874, %dma_wait3A_877] : memref<819200x128xf32, #tpu.memory_space<hbm>> -> memref<128x64xf32, #tpu.memory_space<hbm>>
      tpu.wait_dma2 semaphore(%arg46 : memref<!tpu.dma_semaphore, #tpu.memory_space<semaphore_mem>>) src(%arg22 : memref<128x64xf32, #tpu.memory_space<vmem>>) dst(%dma_wait3A_878 : memref<128x64xf32, #tpu.memory_space<hbm>>)
      %add3A_879 = arith.constant 1 : i32
      %add3A_880 = arith.addi %scan3A_168, %add3A_879 : i32
      %mul3A_881 = arith.constant 8 : i32
      %mul3A_882 = arith.muli %add3A_880, %mul3A_881 : i32
      %add3A_883 = arith.constant 7 : i32
      %add3A_884 = arith.addi %mul3A_882, %add3A_883 : i32
      %min3A_885 = arith.constant 199 : i32
      %min3A_886 = arith.minsi %add3A_884, %min3A_885 : i32
      %mul3A_887 = arith.constant 128 : i32
      %mul3A_888 = arith.muli %min3A_886, %mul3A_887 : i32
      %add3A_889 = arith.addi %mul3A_2, %mul3A_888 : i32
      %mul3A_890 = arith.constant 128 : i32
      %mul3A_891 = arith.muli %min3A_886, %mul3A_890 : i32
      %jit3A_892 = arith.constant 200 : i32
      %eq3A_893 = arith.constant 0 : i32
      %eq3A_894 = arith.cmpi eq, %jit3A_892, %eq3A_893 : i32
      %jit3A_895 = arith.constant 1 : i32
      %select_n3A_896 = arith.select %eq3A_894, %jit3A_895, %jit3A_892 : i32
      %rem3A_897 = arith.remsi %mul3A_891, %select_n3A_896 : i32
      %ne3A_898 = arith.constant 0 : i32
      %ne3A_899 = arith.cmpi ne, %rem3A_897, %ne3A_898 : i32
      %lt3A_900 = arith.constant 0 : i32
      %lt3A_901 = arith.cmpi slt, %rem3A_897, %lt3A_900 : i32
      %lt3A_902 = arith.constant 0 : i32
      %lt3A_903 = arith.cmpi slt, %select_n3A_896, %lt3A_902 : i32
      %ne3A_904 = arith.xori %lt3A_901, %lt3A_903 : i1
      %and3A_905 = arith.andi %ne3A_904, %ne3A_899 : i1
      %add3A_906 = arith.addi %rem3A_897, %select_n3A_896 : i32
      %select_n3A_907 = arith.select %and3A_905, %add3A_906, %rem3A_897 : i32
      %dma_start3A_908 = tpu.memref_slice %arg2[%add3A_889] : memref<819200xi32, #tpu.memory_space<hbm>> -> memref<128xi32, #tpu.memory_space<hbm>>
      %dma_start3A_909 = tpu.memref_slice %arg2[%add3A_889] : memref<819200xi32, #tpu.memory_space<hbm>> -> memref<128xi32, #tpu.memory_space<hbm>>
      tpu.enqueue_dma source(%dma_start3A_909 : memref<128xi32, #tpu.memory_space<hbm>>) target(%arg14 : memref<128xi32, #tpu.memory_space<vmem>>) target_semaphore(%arg30 : memref<!tpu.dma_semaphore, #tpu.memory_space<semaphore_mem>>)
      %dma_start3A_910 = arith.constant 0 : i32
      %dma_start3A_911 = tpu.memref_slice %arg6[%select_n3A_907, %dma_start3A_910] : memref<320x64xf32, #tpu.memory_space<vmem_shared>> -> memref<128x64xf32, #tpu.memory_space<vmem_shared>>
      %dma_start3A_912 = arith.constant 0 : i32
      %dma_start3A_913 = tpu.memref_slice %arg6[%select_n3A_907, %dma_start3A_912] : memref<320x64xf32, #tpu.memory_space<vmem_shared>> -> memref<128x64xf32, #tpu.memory_space<vmem_shared>>
      tpu.enqueue_dma source(%dma_start3A_913 : memref<128x64xf32, #tpu.memory_space<vmem_shared>>) target(%arg22 : memref<128x64xf32, #tpu.memory_space<vmem>>) target_semaphore(%arg38 : memref<!tpu.dma_semaphore, #tpu.memory_space<semaphore_mem>>)
    }
    %scan3A_88 = arith.constant 25 : i32
    %add3A_89 = arith.constant 25472 : i32
    %add3A_90 = arith.addi %mul3A_2, %add3A_89 : i32
    %dma_wait3A = tpu.memref_slice %arg2[%add3A_90] : memref<819200xi32, #tpu.memory_space<hbm>> -> memref<128xi32, #tpu.memory_space<hbm>>
    %dma_wait3A_91 = tpu.memref_slice %arg2[%add3A_90] : memref<819200xi32, #tpu.memory_space<hbm>> -> memref<128xi32, #tpu.memory_space<hbm>>
    tpu.wait_dma2 semaphore(%arg23 : memref<!tpu.dma_semaphore, #tpu.memory_space<semaphore_mem>>) src(%dma_wait3A_91 : memref<128xi32, #tpu.memory_space<hbm>>) dst(%arg7 : memref<128xi32, #tpu.memory_space<vmem>>)
    %dma_wait3A_92 = arith.constant 72 : i32
    %dma_wait3A_93 = arith.constant 0 : i32
    %dma_wait3A_94 = tpu.memref_slice %arg6[%dma_wait3A_92, %dma_wait3A_93] : memref<320x64xf32, #tpu.memory_space<vmem_shared>> -> memref<128x64xf32, #tpu.memory_space<vmem_shared>>
    %dma_wait3A_95 = arith.constant 72 : i32
    %dma_wait3A_96 = arith.constant 0 : i32
    %dma_wait3A_97 = tpu.memref_slice %arg6[%dma_wait3A_95, %dma_wait3A_96] : memref<320x64xf32, #tpu.memory_space<vmem_shared>> -> memref<128x64xf32, #tpu.memory_space<vmem_shared>>
    tpu.wait_dma2 semaphore(%arg31 : memref<!tpu.dma_semaphore, #tpu.memory_space<semaphore_mem>>) src(%dma_wait3A_97 : memref<128x64xf32, #tpu.memory_space<vmem_shared>>) dst(%arg15 : memref<128x64xf32, #tpu.memory_space<vmem>>)
    %add3A_98 = arith.constant 25472 : i32
    %add3A_99 = arith.addi %mul3A_2, %add3A_98 : i32
    %dma_wait3A_100 = tpu.memref_slice %arg2[%add3A_99] : memref<819200xi32, #tpu.memory_space<hbm>> -> memref<128xi32, #tpu.memory_space<hbm>>
    %dma_wait3A_101 = tpu.memref_slice %arg2[%add3A_99] : memref<819200xi32, #tpu.memory_space<hbm>> -> memref<128xi32, #tpu.memory_space<hbm>>
    tpu.wait_dma2 semaphore(%arg24 : memref<!tpu.dma_semaphore, #tpu.memory_space<semaphore_mem>>) src(%dma_wait3A_101 : memref<128xi32, #tpu.memory_space<hbm>>) dst(%arg8 : memref<128xi32, #tpu.memory_space<vmem>>)
    %dma_wait3A_102 = arith.constant 72 : i32
    %dma_wait3A_103 = arith.constant 0 : i32
    %dma_wait3A_104 = tpu.memref_slice %arg6[%dma_wait3A_102, %dma_wait3A_103] : memref<320x64xf32, #tpu.memory_space<vmem_shared>> -> memref<128x64xf32, #tpu.memory_space<vmem_shared>>
    %dma_wait3A_105 = arith.constant 72 : i32
    %dma_wait3A_106 = arith.constant 0 : i32
    %dma_wait3A_107 = tpu.memref_slice %arg6[%dma_wait3A_105, %dma_wait3A_106] : memref<320x64xf32, #tpu.memory_space<vmem_shared>> -> memref<128x64xf32, #tpu.memory_space<vmem_shared>>
    tpu.wait_dma2 semaphore(%arg32 : memref<!tpu.dma_semaphore, #tpu.memory_space<semaphore_mem>>) src(%dma_wait3A_107 : memref<128x64xf32, #tpu.memory_space<vmem_shared>>) dst(%arg16 : memref<128x64xf32, #tpu.memory_space<vmem>>)
    %add3A_108 = arith.constant 25472 : i32
    %add3A_109 = arith.addi %mul3A_2, %add3A_108 : i32
    %dma_wait3A_110 = tpu.memref_slice %arg2[%add3A_109] : memref<819200xi32, #tpu.memory_space<hbm>> -> memref<128xi32, #tpu.memory_space<hbm>>
    %dma_wait3A_111 = tpu.memref_slice %arg2[%add3A_109] : memref<819200xi32, #tpu.memory_space<hbm>> -> memref<128xi32, #tpu.memory_space<hbm>>
    tpu.wait_dma2 semaphore(%arg25 : memref<!tpu.dma_semaphore, #tpu.memory_space<semaphore_mem>>) src(%dma_wait3A_111 : memref<128xi32, #tpu.memory_space<hbm>>) dst(%arg9 : memref<128xi32, #tpu.memory_space<vmem>>)
    %dma_wait3A_112 = arith.constant 72 : i32
    %dma_wait3A_113 = arith.constant 0 : i32
    %dma_wait3A_114 = tpu.memref_slice %arg6[%dma_wait3A_112, %dma_wait3A_113] : memref<320x64xf32, #tpu.memory_space<vmem_shared>> -> memref<128x64xf32, #tpu.memory_space<vmem_shared>>
    %dma_wait3A_115 = arith.constant 72 : i32
    %dma_wait3A_116 = arith.constant 0 : i32
    %dma_wait3A_117 = tpu.memref_slice %arg6[%dma_wait3A_115, %dma_wait3A_116] : memref<320x64xf32, #tpu.memory_space<vmem_shared>> -> memref<128x64xf32, #tpu.memory_space<vmem_shared>>
    tpu.wait_dma2 semaphore(%arg33 : memref<!tpu.dma_semaphore, #tpu.memory_space<semaphore_mem>>) src(%dma_wait3A_117 : memref<128x64xf32, #tpu.memory_space<vmem_shared>>) dst(%arg17 : memref<128x64xf32, #tpu.memory_space<vmem>>)
    %add3A_118 = arith.constant 25472 : i32
    %add3A_119 = arith.addi %mul3A_2, %add3A_118 : i32
    %dma_wait3A_120 = tpu.memref_slice %arg2[%add3A_119] : memref<819200xi32, #tpu.memory_space<hbm>> -> memref<128xi32, #tpu.memory_space<hbm>>
    %dma_wait3A_121 = tpu.memref_slice %arg2[%add3A_119] : memref<819200xi32, #tpu.memory_space<hbm>> -> memref<128xi32, #tpu.memory_space<hbm>>
    tpu.wait_dma2 semaphore(%arg26 : memref<!tpu.dma_semaphore, #tpu.memory_space<semaphore_mem>>) src(%dma_wait3A_121 : memref<128xi32, #tpu.memory_space<hbm>>) dst(%arg10 : memref<128xi32, #tpu.memory_space<vmem>>)
    %dma_wait3A_122 = arith.constant 72 : i32
    %dma_wait3A_123 = arith.constant 0 : i32
    %dma_wait3A_124 = tpu.memref_slice %arg6[%dma_wait3A_122, %dma_wait3A_123] : memref<320x64xf32, #tpu.memory_space<vmem_shared>> -> memref<128x64xf32, #tpu.memory_space<vmem_shared>>
    %dma_wait3A_125 = arith.constant 72 : i32
    %dma_wait3A_126 = arith.constant 0 : i32
    %dma_wait3A_127 = tpu.memref_slice %arg6[%dma_wait3A_125, %dma_wait3A_126] : memref<320x64xf32, #tpu.memory_space<vmem_shared>> -> memref<128x64xf32, #tpu.memory_space<vmem_shared>>
    tpu.wait_dma2 semaphore(%arg34 : memref<!tpu.dma_semaphore, #tpu.memory_space<semaphore_mem>>) src(%dma_wait3A_127 : memref<128x64xf32, #tpu.memory_space<vmem_shared>>) dst(%arg18 : memref<128x64xf32, #tpu.memory_space<vmem>>)
    %add3A_128 = arith.constant 25472 : i32
    %add3A_129 = arith.addi %mul3A_2, %add3A_128 : i32
    %dma_wait3A_130 = tpu.memref_slice %arg2[%add3A_129] : memref<819200xi32, #tpu.memory_space<hbm>> -> memref<128xi32, #tpu.memory_space<hbm>>
    %dma_wait3A_131 = tpu.memref_slice %arg2[%add3A_129] : memref<819200xi32, #tpu.memory_space<hbm>> -> memref<128xi32, #tpu.memory_space<hbm>>
    tpu.wait_dma2 semaphore(%arg27 : memref<!tpu.dma_semaphore, #tpu.memory_space<semaphore_mem>>) src(%dma_wait3A_131 : memref<128xi32, #tpu.memory_space<hbm>>) dst(%arg11 : memref<128xi32, #tpu.memory_space<vmem>>)
    %dma_wait3A_132 = arith.constant 72 : i32
    %dma_wait3A_133 = arith.constant 0 : i32
    %dma_wait3A_134 = tpu.memref_slice %arg6[%dma_wait3A_132, %dma_wait3A_133] : memref<320x64xf32, #tpu.memory_space<vmem_shared>> -> memref<128x64xf32, #tpu.memory_space<vmem_shared>>
    %dma_wait3A_135 = arith.constant 72 : i32
    %dma_wait3A_136 = arith.constant 0 : i32
    %dma_wait3A_137 = tpu.memref_slice %arg6[%dma_wait3A_135, %dma_wait3A_136] : memref<320x64xf32, #tpu.memory_space<vmem_shared>> -> memref<128x64xf32, #tpu.memory_space<vmem_shared>>
    tpu.wait_dma2 semaphore(%arg35 : memref<!tpu.dma_semaphore, #tpu.memory_space<semaphore_mem>>) src(%dma_wait3A_137 : memref<128x64xf32, #tpu.memory_space<vmem_shared>>) dst(%arg19 : memref<128x64xf32, #tpu.memory_space<vmem>>)
    %add3A_138 = arith.constant 25472 : i32
    %add3A_139 = arith.addi %mul3A_2, %add3A_138 : i32
    %dma_wait3A_140 = tpu.memref_slice %arg2[%add3A_139] : memref<819200xi32, #tpu.memory_space<hbm>> -> memref<128xi32, #tpu.memory_space<hbm>>
    %dma_wait3A_141 = tpu.memref_slice %arg2[%add3A_139] : memref<819200xi32, #tpu.memory_space<hbm>> -> memref<128xi32, #tpu.memory_space<hbm>>
    tpu.wait_dma2 semaphore(%arg28 : memref<!tpu.dma_semaphore, #tpu.memory_space<semaphore_mem>>) src(%dma_wait3A_141 : memref<128xi32, #tpu.memory_space<hbm>>) dst(%arg12 : memref<128xi32, #tpu.memory_space<vmem>>)
    %dma_wait3A_142 = arith.constant 72 : i32
    %dma_wait3A_143 = arith.constant 0 : i32
    %dma_wait3A_144 = tpu.memref_slice %arg6[%dma_wait3A_142, %dma_wait3A_143] : memref<320x64xf32, #tpu.memory_space<vmem_shared>> -> memref<128x64xf32, #tpu.memory_space<vmem_shared>>
    %dma_wait3A_145 = arith.constant 72 : i32
    %dma_wait3A_146 = arith.constant 0 : i32
    %dma_wait3A_147 = tpu.memref_slice %arg6[%dma_wait3A_145, %dma_wait3A_146] : memref<320x64xf32, #tpu.memory_space<vmem_shared>> -> memref<128x64xf32, #tpu.memory_space<vmem_shared>>
    tpu.wait_dma2 semaphore(%arg36 : memref<!tpu.dma_semaphore, #tpu.memory_space<semaphore_mem>>) src(%dma_wait3A_147 : memref<128x64xf32, #tpu.memory_space<vmem_shared>>) dst(%arg20 : memref<128x64xf32, #tpu.memory_space<vmem>>)
    %add3A_148 = arith.constant 25472 : i32
    %add3A_149 = arith.addi %mul3A_2, %add3A_148 : i32
    %dma_wait3A_150 = tpu.memref_slice %arg2[%add3A_149] : memref<819200xi32, #tpu.memory_space<hbm>> -> memref<128xi32, #tpu.memory_space<hbm>>
    %dma_wait3A_151 = tpu.memref_slice %arg2[%add3A_149] : memref<819200xi32, #tpu.memory_space<hbm>> -> memref<128xi32, #tpu.memory_space<hbm>>
    tpu.wait_dma2 semaphore(%arg29 : memref<!tpu.dma_semaphore, #tpu.memory_space<semaphore_mem>>) src(%dma_wait3A_151 : memref<128xi32, #tpu.memory_space<hbm>>) dst(%arg13 : memref<128xi32, #tpu.memory_space<vmem>>)
    %dma_wait3A_152 = arith.constant 72 : i32
    %dma_wait3A_153 = arith.constant 0 : i32
    %dma_wait3A_154 = tpu.memref_slice %arg6[%dma_wait3A_152, %dma_wait3A_153] : memref<320x64xf32, #tpu.memory_space<vmem_shared>> -> memref<128x64xf32, #tpu.memory_space<vmem_shared>>
    %dma_wait3A_155 = arith.constant 72 : i32
    %dma_wait3A_156 = arith.constant 0 : i32
    %dma_wait3A_157 = tpu.memref_slice %arg6[%dma_wait3A_155, %dma_wait3A_156] : memref<320x64xf32, #tpu.memory_space<vmem_shared>> -> memref<128x64xf32, #tpu.memory_space<vmem_shared>>
    tpu.wait_dma2 semaphore(%arg37 : memref<!tpu.dma_semaphore, #tpu.memory_space<semaphore_mem>>) src(%dma_wait3A_157 : memref<128x64xf32, #tpu.memory_space<vmem_shared>>) dst(%arg21 : memref<128x64xf32, #tpu.memory_space<vmem>>)
    %add3A_158 = arith.constant 25472 : i32
    %add3A_159 = arith.addi %mul3A_2, %add3A_158 : i32
    %dma_wait3A_160 = tpu.memref_slice %arg2[%add3A_159] : memref<819200xi32, #tpu.memory_space<hbm>> -> memref<128xi32, #tpu.memory_space<hbm>>
    %dma_wait3A_161 = tpu.memref_slice %arg2[%add3A_159] : memref<819200xi32, #tpu.memory_space<hbm>> -> memref<128xi32, #tpu.memory_space<hbm>>
    tpu.wait_dma2 semaphore(%arg30 : memref<!tpu.dma_semaphore, #tpu.memory_space<semaphore_mem>>) src(%dma_wait3A_161 : memref<128xi32, #tpu.memory_space<hbm>>) dst(%arg14 : memref<128xi32, #tpu.memory_space<vmem>>)
    %dma_wait3A_162 = arith.constant 72 : i32
    %dma_wait3A_163 = arith.constant 0 : i32
    %dma_wait3A_164 = tpu.memref_slice %arg6[%dma_wait3A_162, %dma_wait3A_163] : memref<320x64xf32, #tpu.memory_space<vmem_shared>> -> memref<128x64xf32, #tpu.memory_space<vmem_shared>>
    %dma_wait3A_165 = arith.constant 72 : i32
    %dma_wait3A_166 = arith.constant 0 : i32
    %dma_wait3A_167 = tpu.memref_slice %arg6[%dma_wait3A_165, %dma_wait3A_166] : memref<320x64xf32, #tpu.memory_space<vmem_shared>> -> memref<128x64xf32, #tpu.memory_space<vmem_shared>>
    tpu.wait_dma2 semaphore(%arg38 : memref<!tpu.dma_semaphore, #tpu.memory_space<semaphore_mem>>) src(%dma_wait3A_167 : memref<128x64xf32, #tpu.memory_space<vmem_shared>>) dst(%arg22 : memref<128x64xf32, #tpu.memory_space<vmem>>)
    return
  }
}

</mosaic_0001>

<sc_bundles>
// kernel: kernel.3.cloned.1.call-start
scs
__scs_entry_jumppad:
0x0: {  	(pc) =	sbr.rel $0x88, $3  }
0x1: {  	(tag) =	ssettag $0x0;
	lr =	simm.s32 $0x1  }
0x2: {  	[smem:$0x3F9E] =	sst lr;
	_ =	strace $0xD0000000  }
0x3: {  	_ = 	snop  }
0x4: {  	_ = 	snop  }
0x5: {  	_ = 	snop  }
0x6: {  	_ = 	snop  }
0x7: {  	_ = 	snop  }
__scs_overlays_trampoline_lowered:
0x8: {  	[smem:$0x3FAD] =	sst s0  }
0x9: {  	[smem:$0x3FAE] =	sst s1  }
0xa: {  	[smem:$0x3FAF] =	sst s2  }
0xb: {  	[smem:$0x3FB0] =	sst s3  }
0xc: {  	[smem:$0x3FB1] =	sst s4  }
0xd: {  	[smem:$0x3FB2] =	sst s5  }
0xe: {  	[smem:$0x3FB3] =	sst s6  }
0xf: {  	[smem:$0x3FB4] =	sst s7  }
0x10: {  	[smem:$0x3FB5] =	sst s8  }
0x11: {  	[smem:$0x3FB6] =	sst s9;
	s0 =	simm.s32 @!p0 $0x0  }
0x12: {  	s1 =	sld [smem:$0x3F9C];
	s0 =	simm.s32 @p0 $0x1  }
0x13: {  	[smem:$0x3FB7] =	sst s0;
	s0 =	simm.s32 @!p1 $0x0  }
0x14: {  	s2 =	sld [smem:$0x3F9B];
	s0 =	simm.s32 @p1 $0x1  }
0x15: {  	[smem:$0x3FB8] =	sst s0;
	s0 =	simm.s32 @!p2 $0x0  }
0x16: {  	s3 =	sld [smem:$0x3FDB];
	s0 =	simm.s32 @p2 $0x1  }
0x17: {  	s4 =	simm.s32 $0x1BF5;
	[smem:$0x3FBA] =	sst s0  }
0x18: {  	s0 =	sld [smem:$0x3F9D];
	_ =	swait.ge [sflag:s4], $0x0  }
0x19: {  	s7 =	sld [smem:$0x3F9E]  }
0x1a: {  	s8 =	sadd.s32 $0xFFFFE003, lr  }
0x1b: {  	s9 =	sadd.s32 $0xFFFFFEF7, lr;
	s5 =	simm.s32 $0xFFFFFFFF;
	p2 =	slt.u32 s8, $0xFFFFF086  }
0x1c: {  	p1 =	slt.u32 s9, $0xF7A;
	s5 =	simm.s32 @!p2 $0x0  }
0x1d: {  	s5 =	simm.s32 @p1 $0x1;
	p0 =	seq.s32 s7, s2  }
0x1e: {  	s7 =	smul.u32 @!p0 $0xF7A, s2;
	p2 =	seq.s32 @!p0 s5, $0x0  }
0x1f: {  	s9 =	smul.u32 $0xF7A, s1;
	s8 =	simm.s32 @!p0 $0x1BF5;
	p2 =	por !p2, p0  }
0x20: {  	[sflag:s8] =	ssyncset.s32 @!p0 $0xFFFFF086;
	s6 =	sadd.s32 @!p0 s3, s7;
	s7 =	simm.s32 @!p0 $0x108  }
0x21: {  	s3 =	sadd.s32 s3, s9;
	s6 =	sadd.s32 @!p0 $0x88, s6;
	s7 =	simm.s32 @p2 $0x1082  }
0x22: {  	[simem:s7], [sflag:s8] =	dma.local @!p0 [hbm:s6], $0xF7A  }
0x23: {  	s9 =	sor.u32 $0xD0000000, s2;
	s6 =	simm.s32 $0x108;
	_ =	swait.ge @!p0 [sflag:s8], $0x0  }
0x24: {  	s3 =	sadd.s32 $0x88, s3;
	s6 =	simm.s32 @!p1 $0x1082;
	[sflag:s4] =	ssyncset.s32 $0xFFFFF086  }
0x25: {  	[simem:s6], [sflag:s4] =	dma.local [hbm:s3], $0xF7A  }
0x26: {  	[smem:$0x3F9E] =	sst s1;
	(tag) =	ssettag s2;
	_ =	strace s9  }
0x27: {  	s1 =	sld [smem:$0x3FAE]  }
0x28: {  	s2 =	sld [smem:$0x3FAF]  }
0x29: {  	s4 =	sld [smem:$0x3FB1]  }
0x2a: {  	p0 =	seq.s32 s5, $0x0;
	s5 =	sld [smem:$0x3FB2]  }
0x2b: {  	s6 =	sld [smem:$0x3FB3]  }
0x2c: {  	s7 =	sld [smem:$0x3FB4]  }
0x2d: {  	s3 =	simm.s32 $0x108;
	s8 =	sld [smem:$0x3FB5]  }
0x2e: {  	s3 =	simm.s32 @!p0 $0x1082;
	s9 =	sld [smem:$0x3FB6]  }
0x2f: {  	lr =	sadd.s32 s0, s3;
	s0 =	sld [smem:$0x3FAD]  }
0x30: {  	s3 =	sld [smem:$0x3FB0]  }
0x31: {  	[smem:$0x3FB9] =	sst s10  }
0x32: {  	s10 =	sld [smem:$0x3FB7];
	_ =	sdelay $0x3  }
0x33: {  	p0 =	seq.s32 s10, $0x1;
	s10 =	sld [smem:$0x3FB9];
	_ =	sdelay $0x3  }
0x34: {  	[smem:$0x3FB9] =	sst s10  }
0x35: {  	s10 =	sld [smem:$0x3FB8];
	_ =	sdelay $0x3  }
0x36: {  	p1 =	seq.s32 s10, $0x1;
	s10 =	sld [smem:$0x3FB9];
	_ =	sdelay $0x3  }
0x37: {  	[smem:$0x3FB9] =	sst s10  }
0x38: {  	s10 =	sld [smem:$0x3FBA]  }
0x39: {  	_ = 	snop;
	(pc) =	sbr.ind lr, $3  }
0x3a: {  	_ = 	snop  }
0x3b: {  	_ = 	snop  }
0x3c: {  	p2 =	seq.s32 s10, $0x1;
	s10 =	sld [smem:$0x3FB9]  }
0x3d: {  	_ =	shalt  }
0x3e: {  	_ =	shalt  }
0x3f: {  	_ =	shalt  }
0x40: {  	_ =	shalt  }
0x41: {  	_ =	shalt  }
0x42: {  	_ =	shalt  }
0x43: {  	_ =	shalt  }
0x44: {  	_ =	shalt  }
0x45: {  	_ =	shalt  }
0x46: {  	_ =	shalt  }
0x47: {  	_ =	shalt  }
0x48: {  	_ =	shalt  }
0x49: {  	_ =	shalt  }
0x4a: {  	_ =	shalt  }
0x4b: {  	_ =	shalt  }
0x4c: {  	_ =	shalt  }
0x4d: {  	_ =	shalt  }
0x4e: {  	_ =	shalt  }
0x4f: {  	_ =	shalt  }
0x50: {  	_ =	shalt  }
0x51: {  	_ =	shalt  }
0x52: {  	_ =	shalt  }
0x53: {  	_ =	shalt  }
0x54: {  	_ =	shalt  }
0x55: {  	_ =	shalt  }
0x56: {  	_ =	shalt  }
0x57: {  	_ =	shalt  }
0x58: {  	_ =	shalt  }
0x59: {  	_ =	shalt  }
0x5a: {  	_ =	shalt  }
0x5b: {  	_ =	shalt  }
0x5c: {  	_ =	shalt  }
0x5d: {  	_ =	shalt  }
0x5e: {  	_ =	shalt  }
0x5f: {  	_ =	shalt  }
0x60: {  	_ =	shalt  }
0x61: {  	_ =	shalt  }
0x62: {  	_ =	shalt  }
0x63: {  	_ =	shalt  }
0x64: {  	_ =	shalt  }
0x65: {  	_ =	shalt  }
0x66: {  	_ =	shalt  }
0x67: {  	_ =	shalt  }
0x68: {  	_ =	shalt  }
0x69: {  	_ =	shalt  }
0x6a: {  	_ =	shalt  }
0x6b: {  	_ =	shalt  }
0x6c: {  	_ =	shalt  }
0x6d: {  	_ =	shalt  }
0x6e: {  	_ =	shalt  }
0x6f: {  	_ =	shalt  }
0x70: {  	_ =	shalt  }
0x71: {  	_ =	shalt  }
0x72: {  	_ =	shalt  }
0x73: {  	_ =	shalt  }
0x74: {  	_ =	shalt  }
0x75: {  	_ =	shalt  }
0x76: {  	_ =	shalt  }
0x77: {  	_ =	shalt  }
0x78: {  	_ =	shalt  }
0x79: {  	_ =	shalt  }
0x7a: {  	_ =	shalt  }
0x7b: {  	_ =	shalt  }
0x7c: {  	_ =	shalt  }
0x7d: {  	_ =	shalt  }
0x7e: {  	_ =	shalt  }
0x7f: {  	_ =	shalt  }
0x80: {  	_ =	shalt  }
0x81: {  	_ =	shalt  }
0x82: {  	_ =	shalt  }
0x83: {  	_ =	shalt  }
0x84: {  	_ =	shalt  }
0x85: {  	_ =	shalt  }
0x86: {  	_ =	shalt  }
0x87: {  	_ =	shalt  }
.Lfunc_end0:
.L_simem_size_0:
called_computation.1_lowered:
.L_overlay_start_0:
0x88: {  	s2 =	sld [smem:$0x3FD9]  }
0x89: {  	s3 =	sld [smem:$0x3FFE];
	_ =	sdelay $0x1  }
0x8a: {  	s1 =	srdreg.scid  }
0x8b: {  	s0 =	sand.u32 $0x1, s1  }
0x8c: {  	s17 =	sshll.u32 s0, $0xA;
	s2 =	sadd.s32 s3, s2  }
0x8d: {  	s2 =	sadd.s32 s2, s17  }
0x8e: {  	[smem:$0x3FC5] =	sst s2  }
0x8f: {  	_ = 	snop  }
0x90: {  	s2 =	sld [smem:$0x3FD0];
	(tm) =	ssettm $0x1  }
0x91: {  	s18 =	sld [smem:$0x3FFB];
	_ =	sdelay $0x3  }
0x92: {  	_ =	strace s18  }
0x93: {  	s3 =	sld [smem:$0x3FFC];
	_ =	sdelay $0x3  }
0x94: {  	_ =	strace s3  }
0x95: {  	s3 =	sld [smem:$0x3FFD];
	_ =	sdelay $0x3  }
0x96: {  	_ =	strace s3  }
0x97: {  	_ =	strace $0x8FFFFFFF  }
0x98: {  	s19 =	sld [smem:$0x3FDB];
	_ =	sdelay $0x1  }
0x99: {  	s4 =	simm.s32 $_scs_section_size  }
0x9a: {  	s5 =	simm.s32 $_size__tile_overlayer_lowered;
	s6 =	simm.s32 $_tile_overlayer_lowered  }
0x9b: {  	s22 =	simm.s32 $0x1BFF;
	s21 =	sshll.u32 s6, $0x1;
	s3 =	sadd.s32 s4, s19  }
0x9c: {  	s7 =	simm.s32 $0x0;
	s20 =	sshll.u32 s5, $0x1;
	s5 =	sadd.s32 s21, s3  }
0x9d: {  	[timem:s7], [sflag:s22] =	dma.local [hbm:s5], s20  }
0x9e: {  	_ =	swait.ge [sflag:s22], s20  }
0x9f: {  	s4 =	ssub.s32 $0x0, s20;
	[sflag:s22] =	ssyncset.done $0x0  }
0xa0: {  	[sflag:s22] =	ssyncadd.s32 s4;
	_ =	sdelay $0x1  }
0xa1: {  	s23 =	simm.s32 $0x1B8B  }
0xa2: {  	_ =	swait.ge [sflag:s23], $0x1  }
0xa3: {  	[sflag:s23] =	ssyncset.done $0x0  }
0xa4: {  	s25 =	simm.s32 $0x1B8E;
	s24 =	sld [smem:$0x3FFE];
	[sflag:s23] =	ssyncadd.s32 $0xFFFFFFFF  }
0xa5: {  	s26 =	simm.s32 $execute0_lowered;
	[smem:$0x3FD2] =	sst s25  }
0xa6: {  	s5 =	sshll.u32 s26, $0x1;
	_ =	strace $0x80000046;
	[dreg:$0x1] =	wrdreg $0xFFFFFFFF  }
0xa7: {  	s28 =	simm.s32 $_size_execute0_lowered;
	s3 =	sadd.s32 s3, s5;
	[dreg:$0x0] =	wrdreg $0x0  }
0xa8: {  	s5 =	sshll.u32 s28, $0x1;
	[dreg:$0x2] =	wrdreg s3  }
0xa9: {  	[dreg:$0x3] =	wrdreg s5  }
0xaa: {  	[dreg:$0x4] =	wrdreg $0xC0  }
0xab: {  	_ =	task [dreg:s7], $0x5FFFF  }
0xac: {  	[dreg:$0x1] =	wrdreg $0xFFFFFFFF  }
0xad: {  	[dreg:$0x0] =	wrdreg $0x60  }
0xae: {  	[dreg:$0x2] =	wrdreg s2  }
0xaf: {  	[dreg:$0x3] =	wrdreg s24  }
0xb0: {  	[dreg:$0x4] =	wrdreg $0x0  }
0xb1: {  	[dreg:$0x5] =	wrdreg $0x9  }
0xb2: {  	_ =	task.clear_ibuf [dreg:s7], $0x6FFFF;
	_ =	strace $0x90000046  }
0xb3: {  	s29 =	simm.s32 $0x9;
	_ =	strace $0x80000048  }
0xb4: {  	_ =	swait.ge [sflag:s29], $0x1  }
0xb5: {  	[sflag:s29] =	ssyncadd.s32 $0xFFFFFFFF  }
0xb6: {  	_ =	strace $0x90000048  }
0xb7: {  	_ =	sfence  }
0xb8: {  	s30 =	sld [smem:$0x0];
	_ =	sdelay $0x2  }
0xb9: {  	s31 =	sshll.u32 s1, $0xD;
	s1 =	sshrl.u32 s1, $0x2  }
0xba: {  	s3 =	sand.u32 $0x4000, s31;
	s1 =	sadd.s32 s1, s30  }
0xbb: {  	s0 =	sor.u32 s3, s0;
	s1 =	sshll.u32 s1, $0x11  }
0xbc: {  	s0 =	sor.u32 s1, s0  }
0xbd: {  	s0 =	sadd.s32 $0x8F2B, s0  }
0xbe: {  	[sflag:s0] =	ssyncadd.remote.s32 $0x1  }
0xbf: {  	_ =	sfence.sel $0xFFFF  }
0xc0: {  	[dreg:$0x0] =	wrdreg $0xFFFFFFFF;
	(pc) =	sbr.abs _section_cstart, $3  }
0xc1: {  	[dreg:$0x1] =	wrdreg $0xFFFFFFFF  }
0xc2: {  	_ =	task.clear_ibuf [dreg:s7], $0x2FFFF;
	_ =	strace $0x9FFFFFFF  }
0xc3: {  	(tm) =	ssettm $0x7FFFFFFF  }
tec
execute0_lowered:
.L_overlay_start_1:
0x0: {  	(tag) =	ssettag $0x1  }
0x1: {  	s2 =	rddreg [dreg:$0x0]  }
0x2: {  	s0 =	rddreg [dreg:$0x1]  }
0x3: {  	s1 =	rddreg [dreg:$0x2]  }
0x4: {  	s4 =	srdreg.scid;
	s5 =	stileid.u32  }
0x5: {  	s3 =	simm.s32 $0x0;
	s7 =	sand.u32 $0x1, s4;
	s28 =	sshll.u32 s5, $0x1  }
0x6: {  	[smem:$0x7FF] =	sst s3;
	s6 =	sadd.s32 $0x1200, s0;
	s8 =	smul.u32 $0x640000, s5  }
0x7: {  	s31 =	sadd.s32 $0x2000, s1;
	_ =	strace $0x80000047;
	[dreg:$0xd] =	wrdreg s6  }
0x8: {  	s12 =	smul.u32 $0xC800, s5;
	s13 =	sadd.s32 $0xE00, s1;
	[dreg:$0x11] =	wrdreg s31  }
0x9: {  	s15 =	sadd.s32 $0x2E00, s1;
	s19 =	sadd.s32 $0x1C00, s1;
	[dreg:$0x13] =	wrdreg s13  }
0xa: {  	s23 =	sadd.s32 $0xA00, s1;
	s4 =	sor.u32 s7, s28;
	[dreg:$0x15] =	wrdreg s15  }
0xb: {  	s6 =	sadd.s32 $0xF43600, s0;
	s0 =	sadd.s32 $0x1C00, s0;
	[dreg:$0x17] =	wrdreg s19  }
0xc: {  	s29 =	ssub.s32 $0x2, s7;
	s9 =	smul.u32 $0x320000, s7;
	[dreg:$0x19] =	wrdreg s23  }
0xd: {  	s7 =	smul.u32 $0x6400, s7;
	s28 =	sadd.s32 $0x2A00, s1;
	[dreg:$0xe] =	wrdreg s0  }
0xe: {  	s10 =	sshrl.u32 s29, $0x1;
	[dreg:$0x1b] =	wrdreg s28;
	s8 =	sadd.s32 s9, s8  }
0xf: {  	s0 =	ssub.s32 s29, s10;
	s7 =	sadd.s32 s7, s12;
	s8 =	sshrl.u32 s8, $0x3  }
0x10: {  	s7 =	sshll.u32 s7, $0x4;
	s0 =	smax.u32 s0, $0x1;
	[dreg:$0x4] =	wrdreg s8  }
0x11: {  	s16 =	sor.u32 $0x3800, s7;
	[dreg:$0x1e] =	wrdreg s0  }
0x12: {  	s18 =	sor.u32 $0x3000, s7;
	[dreg:$0x5] =	wrdreg s16  }
0x13: {  	s4 =	smul.u32 $0x6400, s4;
	s20 =	sor.u32 $0x2800, s7;
	[dreg:$0x6] =	wrdreg s18  }
0x14: {  	s22 =	sor.u32 $0x2000, s7;
	[dreg:$0x7] =	wrdreg s20  }
0x15: {  	s11 =	sshrl.u32 s4, $0x3;
	s24 =	sor.u32 $0x1800, s7;
	[dreg:$0x8] =	wrdreg s22  }
0x16: {  	s30 =	sadd.s32 s2, s11;
	[dreg:$0x9] =	wrdreg s24  }
0x17: {  	s26 =	sor.u32 $0x1000, s7;
	[dreg:$0xf] =	wrdreg s30  }
0x18: {  	s31 =	sor.u32 $0x800, s7;
	[dreg:$0xa] =	wrdreg s26  }
0x19: {  	s11 =	sadd.s32 $0x10, s30;
	[dreg:$0xb] =	wrdreg s31  }
0x1a: {  	s3 =	sadd.s32 $0x20, s30;
	[dreg:$0x10] =	wrdreg s11  }
0x1b: {  	s14 =	sadd.s32 $0x30, s30;
	[dreg:$0x12] =	wrdreg s3  }
0x1c: {  	s17 =	sadd.s32 $0x40, s30;
	[dreg:$0x14] =	wrdreg s14  }
0x1d: {  	s21 =	sadd.s32 $0x50, s30;
	[dreg:$0x16] =	wrdreg s17  }
0x1e: {  	s25 =	sadd.s32 $0x60, s30;
	[dreg:$0x18] =	wrdreg s21  }
0x1f: {  	p0 =	sne.s32 s5, $0x0;
	s29 =	sadd.s32 $0x70, s30;
	[dreg:$0x1a] =	wrdreg s25  }
0x20: {  	s30 =	sadd.s32 $0x1800, s1;
	s18 =	simm.s32 $0x80;
	[dreg:$0x1c] =	wrdreg s29  }
0x21: {  	s20 =	simm.s32 $0x40;
	s1 =	simm.s32 $0x0;
	[dreg:$0x1d] =	wrdreg s30  }
.LBB2_1:
0x22: {  	[dreg:$0x1f] =	wrdreg s1  }
0x23: {  	s0 =	rddreg [dreg:$0x2]  }
0x24: {  	s8 =	simm.s32 @!p0 $0x1C19;
	s5 =	rddreg [dreg:$0xd];
	s7 =	sshrl.u32 @!p0 s0, $0x3  }
0x25: {  	[spmem:s7], [sflag:s8] =	dma.local @!p0 [hbm:s5], $0xA00  }
0x26: {  	s7 =	simm.s32 @!p0 $0x19  }
0x27: {  	_ =	swait.ge @!p0 [sflag:s7], $0xA00  }
0x28: {  	[sflag:s7] =	ssyncset.done @!p0 $0x0  }
0x29: {  	[sflag:s7] =	ssyncadd.s32 @!p0 $0xFFFFF600  }
0x2a: {  	[bflag:$0x0] =	sbarrier.arrive $0xFFFF  }
0x2b: {  	s1 =	simm.s32 $0x0;
	s7 =	simm.s32 $0x500;
	s21 =	rddreg [dreg:$0xf]  }
0x2c: {  	[tilespmem:s7], [sflag:$0x1] =	stream.linear.gather [hbm4b:s21+s1], $0x80, $0x38;
	[tilespmem:$0x10900] =	vst v63  }
0x2d: {  	s8 =	simm.s32 $0x900  }
0x2e: {  	[tilespmem:s8], [sflag:$0x9] =	stream.linear.gather [spmem:s0], $0x2000, $0x38;
	[tilespmem:$0x10900] =	vst v63  }
0x2f: {  	s10 =	simm.s32 $0x580;
	s22 =	rddreg [dreg:$0x10]  }
0x30: {  	[tilespmem:s10], [sflag:$0x2] =	stream.linear.gather [hbm4b:s22+s1], $0x80, $0x38;
	[tilespmem:$0x10900] =	vst v63  }
0x31: {  	s12 =	simm.s32 $0x2900;
	s23 =	rddreg [dreg:$0x11]  }
0x32: {  	[tilespmem:s12], [sflag:$0xA] =	stream.linear.gather [spmem:s23], $0x2000, $0x38;
	[tilespmem:$0x10900] =	vst v63  }
0x33: {  	s14 =	simm.s32 $0x600;
	s24 =	rddreg [dreg:$0x12]  }
0x34: {  	[tilespmem:s14], [sflag:$0x3] =	stream.linear.gather [hbm4b:s24+s1], $0x80, $0x38;
	[tilespmem:$0x10900] =	vst v63  }
0x35: {  	s25 =	rddreg [dreg:$0x13];
	s0 =	simm.s32 $0x4900  }
0x36: {  	[tilespmem:s0], [sflag:$0xB] =	stream.linear.gather [spmem:s25], $0x2000, $0x38;
	[tilespmem:$0x10900] =	vst v63  }
0x37: {  	s16 =	simm.s32 $0x680;
	s26 =	rddreg [dreg:$0x14]  }
0x38: {  	[tilespmem:s16], [sflag:$0x4] =	stream.linear.gather [hbm4b:s26+s1], $0x80, $0x38;
	[tilespmem:$0x10900] =	vst v63  }
0x39: {  	s9 =	simm.s32 $0x6900;
	s28 =	rddreg [dreg:$0x15]  }
0x3a: {  	[tilespmem:s9], [sflag:$0xC] =	stream.linear.gather [spmem:s28], $0x2000, $0x38;
	[tilespmem:$0x10900] =	vst v63  }
0x3b: {  	s17 =	simm.s32 $0x700;
	s29 =	rddreg [dreg:$0x16]  }
0x3c: {  	[tilespmem:s17], [sflag:$0x5] =	stream.linear.gather [hbm4b:s29+s1], $0x80, $0x38;
	[tilespmem:$0x10900] =	vst v63  }
0x3d: {  	s11 =	simm.s32 $0x8900;
	s30 =	rddreg [dreg:$0x17]  }
0x3e: {  	[tilespmem:s11], [sflag:$0xD] =	stream.linear.gather [spmem:s30], $0x2000, $0x38;
	[tilespmem:$0x10900] =	vst v63  }
0x3f: {  	s19 =	simm.s32 $0x780;
	s31 =	rddreg [dreg:$0x18]  }
0x40: {  	[tilespmem:s19], [sflag:$0x6] =	stream.linear.gather [hbm4b:s31+s1], $0x80, $0x38;
	[tilespmem:$0x10900] =	vst v63  }
0x41: {  	s13 =	simm.s32 $0xA900;
	s3 =	rddreg [dreg:$0x19]  }
0x42: {  	[tilespmem:s13], [sflag:$0xE] =	stream.linear.gather [spmem:s3], $0x2000, $0x38;
	[tilespmem:$0x10900] =	vst v63  }
0x43: {  	s15 =	rddreg [dreg:$0x1a];
	s3 =	simm.s32 $0x800  }
0x44: {  	[tilespmem:s3], [sflag:$0x7] =	stream.linear.gather [hbm4b:s15+s1], $0x80, $0x38;
	[tilespmem:$0x10900] =	vst v63  }
0x45: {  	s21 =	rddreg [dreg:$0x1b];
	s15 =	simm.s32 $0xC900  }
0x46: {  	[tilespmem:s15], [sflag:$0xF] =	stream.linear.gather [spmem:s21], $0x2000, $0x38;
	[tilespmem:$0x10900] =	vst v63  }
0x47: {  	s22 =	rddreg [dreg:$0x1c];
	s21 =	simm.s32 $0x880  }
0x48: {  	[tilespmem:s21], [sflag:$0x8] =	stream.linear.gather [hbm4b:s22+s1], $0x80, $0x38;
	[tilespmem:$0x10900] =	vst v63  }
0x49: {  	s23 =	rddreg [dreg:$0x1d];
	s24 =	simm.s32 $0x1;
	s22 =	simm.s32 $0xE900  }
0x4a: {  	[tilespmem:s22], [sflag:$0x10] =	stream.linear.gather [spmem:s23], $0x2000, $0x38;
	[tilespmem:$0x10900] =	vst v63  }
0x4b: {  	_ =	swait.ge [sflag:s24], $0x80  }
0x4c: {  	[sflag:s24] =	ssyncset.done $0x0  }
0x4d: {  	s25 =	simm.s32 $0x9;
	[sflag:s24] =	ssyncadd.s32 $0xFFFFFF80  }
0x4e: {  	_ =	swait.ge [sflag:s25], $0x2000  }
0x4f: {  	[sflag:s25] =	ssyncset.done $0x0  }
0x50: {  	s26 =	simm.s32 $0x2;
	[sflag:s25] =	ssyncadd.s32 $0xFFFFE000  }
0x51: {  	[tilespmem:s8], [sflag:$0x11] =	stream.indirect.gather.add.f32 [hbm:s6], $0x40, s7, s18, $0xb8;
	[tilespmem:$0x10900] =	vst v63  }
0x52: {  	_ =	swait.ge [sflag:s26], $0x80  }
0x53: {  	[sflag:s26] =	ssyncset.done $0x0  }
0x54: {  	s28 =	simm.s32 $0xA;
	[sflag:s26] =	ssyncadd.s32 $0xFFFFFF80  }
0x55: {  	_ =	swait.ge [sflag:s28], $0x2000  }
0x56: {  	[sflag:s28] =	ssyncset.done $0x0  }
0x57: {  	s29 =	simm.s32 $0x3;
	[sflag:s28] =	ssyncadd.s32 $0xFFFFE000  }
0x58: {  	[tilespmem:s12], [sflag:$0x12] =	stream.indirect.gather.add.f32 [hbm:s6], $0x40, s10, s18, $0xb8;
	[tilespmem:$0x10900] =	vst v63  }
0x59: {  	_ =	swait.ge [sflag:s29], $0x80  }
0x5a: {  	[sflag:s29] =	ssyncset.done $0x0  }
0x5b: {  	s30 =	simm.s32 $0xB;
	[sflag:s29] =	ssyncadd.s32 $0xFFFFFF80  }
0x5c: {  	_ =	swait.ge [sflag:s30], $0x2000  }
0x5d: {  	[sflag:s30] =	ssyncset.done $0x0  }
0x5e: {  	s31 =	simm.s32 $0x4;
	[sflag:s30] =	ssyncadd.s32 $0xFFFFE000  }
0x5f: {  	[tilespmem:s0], [sflag:$0x13] =	stream.indirect.gather.add.f32 [hbm:s6], $0x40, s14, s18, $0xb8;
	[tilespmem:$0x10900] =	vst v63  }
0x60: {  	_ =	swait.ge [sflag:s31], $0x80  }
0x61: {  	[sflag:s31] =	ssyncset.done $0x0  }
0x62: {  	s1 =	simm.s32 $0xC;
	[sflag:s31] =	ssyncadd.s32 $0xFFFFFF80  }
0x63: {  	_ =	swait.ge [sflag:s1], $0x2000  }
0x64: {  	[sflag:s1] =	ssyncset.done $0x0  }
0x65: {  	s5 =	simm.s32 $0x5;
	[sflag:s1] =	ssyncadd.s32 $0xFFFFE000  }
0x66: {  	[tilespmem:s9], [sflag:$0x14] =	stream.indirect.gather.add.f32 [hbm:s6], $0x40, s16, s18, $0xb8;
	[tilespmem:$0x10900] =	vst v63  }
0x67: {  	_ =	swait.ge [sflag:s5], $0x80  }
0x68: {  	[sflag:s5] =	ssyncset.done $0x0  }
0x69: {  	s7 =	simm.s32 $0xD;
	[sflag:s5] =	ssyncadd.s32 $0xFFFFFF80  }
0x6a: {  	_ =	swait.ge [sflag:s7], $0x2000  }
0x6b: {  	[sflag:s7] =	ssyncset.done $0x0  }
0x6c: {  	s8 =	simm.s32 $0x6;
	[sflag:s7] =	ssyncadd.s32 $0xFFFFE000  }
0x6d: {  	[tilespmem:s11], [sflag:$0x15] =	stream.indirect.gather.add.f32 [hbm:s6], $0x40, s17, s18, $0xb8;
	[tilespmem:$0x10900] =	vst v63  }
0x6e: {  	_ =	swait.ge [sflag:s8], $0x80  }
0x6f: {  	[sflag:s8] =	ssyncset.done $0x0  }
0x70: {  	s9 =	simm.s32 $0xE;
	[sflag:s8] =	ssyncadd.s32 $0xFFFFFF80  }
0x71: {  	_ =	swait.ge [sflag:s9], $0x2000  }
0x72: {  	[sflag:s9] =	ssyncset.done $0x0  }
0x73: {  	s10 =	simm.s32 $0x7;
	[sflag:s9] =	ssyncadd.s32 $0xFFFFE000  }
0x74: {  	[tilespmem:s13], [sflag:$0x16] =	stream.indirect.gather.add.f32 [hbm:s6], $0x40, s19, s18, $0xb8;
	[tilespmem:$0x10900] =	vst v63  }
0x75: {  	_ =	swait.ge [sflag:s10], $0x80  }
0x76: {  	s11 =	simm.s32 $0xA;
	[sflag:s10] =	ssyncset.done $0x0  }
0x77: {  	s12 =	simm.s32 $0xF;
	s7 =	smin.u32 s11, $0xC7;
	[sflag:s10] =	ssyncadd.s32 $0xFFFFFF80  }
0x78: {  	s24 =	simm.s32 $0x17;
	s13 =	smul.u32 $0xA3D80, s7;
	_ =	swait.ge [sflag:s12], $0x2000  }
0x79: {  	s25 =	simm.s32 $0x10;
	s28 =	simm.s32 $0x11;
	[sflag:s12] =	ssyncset.done $0x0  }
0x7a: {  	s14 =	simm.s32 $0x8;
	s8 =	sshrl.u32 s13, $0x14;
	[sflag:s12] =	ssyncadd.s32 $0xFFFFE000  }
0x7b: {  	[tilespmem:s15], [sflag:$0x17] =	stream.indirect.gather.add.f32 [hbm:s6], $0x40, s3, s18, $0xb8;
	[tilespmem:$0x10900] =	vst v63  }
0x7c: {  	s8 =	smul.u32 $0xC8, s8;
	s15 =	simm.s32 $0xB;
	_ =	swait.ge [sflag:s14], $0x80  }
0x7d: {  	s23 =	sshll.u32 s7, $0x7;
	s16 =	smin.u32 s15, $0xC7;
	[sflag:s14] =	ssyncset.done $0x0  }
0x7e: {  	s7 =	ssub.s32 s23, s8;
	s17 =	smul.u32 $0xA3D80, s16;
	[sflag:s14] =	ssyncadd.s32 $0xFFFFFF80  }
0x7f: {  	s11 =	simm.s32 $0x8;
	s7 =	sshll.u32 s7, $0x6;
	_ =	swait.ge [sflag:s25], $0x2000  }
0x80: {  	s29 =	sshll.u32 s16, $0x7;
	s26 =	sshrl.u32 s17, $0x14;
	[sflag:s25] =	ssyncset.done $0x0  }
0x81: {  	s16 =	simm.s32 $0xF;
	s8 =	smul.u32 $0xC8, s26;
	[sflag:s25] =	ssyncadd.s32 $0xFFFFE000  }
0x82: {  	[tilespmem:s22], [sflag:$0x18] =	stream.indirect.gather.add.f32 [hbm:s6], $0x40, s21, s18, $0xb8;
	[tilespmem:$0x10900] =	vst v63  }
0x83: {  	s22 =	sand.u32 $0x3E00, s7;
	s8 =	ssub.s32 s29, s8;
	_ =	swait.ge [sflag:s28], $0x2000  }
0x84: {  	s7 =	sadd.s32 s4, s29;
	s31 =	sshll.u32 s8, $0x6;
	s30 =	rddreg [dreg:$0x4]  }
0x85: {  	s8 =	sshrl.u32 s7, $0x3;
	[sflag:s28] =	ssyncset.done $0x0;
	s19 =	rddreg [dreg:$0xe]  }
0x86: {  	s21 =	sand.u32 $0x3E00, s31;
	[sflag:s28] =	ssyncadd.s32 $0xFFFFE000;
	s7 =	sadd.s32 s19, s30  }
.LBB2_2:
0x87: {  	s0 =	simm.s32 $0x900;
	s9 =	simm.s32 $0x12;
	s29 =	smin.u32 s11, $0xC7  }
0x88: {  	s11 =	sadd.s32 $0xFFFFFFF9, s24;
	s5 =	sadd.s32 $0x8, s24;
	p1 =	sne.s32 s24, $0xCF  }
0x89: {  	s31 =	sadd.s32 $0xFFFFFFFD, s16;
	s13 =	simm.s32 $0x2900;
	s30 =	simm.s32 $0x13  }
0x8a: {  	s15 =	simm.s32 $0x4900;
	s28 =	simm.s32 $0x14;
	s25 =	simm.s32 $0x6900  }
0x8b: {  	[hbm4b:s7+s20] =	stream.strided.scatter [tilespmem:s0], [sflag:$0x11], $0x2000, s18, s20, $0x38;
	[tilespmem:$0x10900] =	vst v63  }
0x8c: {  	s1 =	simm.s32 $0x15;
	s3 =	simm.s32 $0xC900;
	s7 =	smov.u32 s24  }
0x8d: {  	s10 =	smul.u32 $0xA3D80, s29;
	s12 =	smin.u32 s31, $0xC7;
	s29 =	sshll.u32 s29, $0x7  }
0x8e: {  	_ =	swait.ge [sflag:s9], $0x2000;
	[dreg:$0xc] =	wrdreg s5;
	s31 =	sshll.u32 s12, $0x7  }
0x8f: {  	s24 =	smul.u32 $0xA3D80, s12;
	[sflag:s9] =	ssyncset.done $0x0;
	s26 =	rddreg [dreg:$0xb]  }
0x90: {  	s5 =	sshrl.u32 s10, $0x14;
	[sflag:s9] =	ssyncadd.s32 $0xFFFFE000;
	s26 =	sadd.s32 s19, s26  }
0x91: {  	[hbm4b:s26+s20] =	stream.strided.scatter [tilespmem:s13], [sflag:$0x12], $0x2000, s18, s20, $0x38;
	[tilespmem:$0x10900] =	vst v63  }
0x92: {  	s10 =	sadd.s32 $0xFFFFFFFA, s16;
	s17 =	sadd.s32 s4, s31;
	_ =	swait.ge [sflag:s30], $0x2000  }
0x93: {  	s24 =	sshrl.u32 s24, $0x14;
	[sflag:s30] =	ssyncset.done $0x0;
	s14 =	rddreg [dreg:$0xa]  }
0x94: {  	s24 =	smul.u32 $0xC8, s24;
	[sflag:s30] =	ssyncadd.s32 $0xFFFFE000;
	s26 =	sadd.s32 s19, s14  }
0x95: {  	[hbm4b:s26+s20] =	stream.strided.scatter [tilespmem:s15], [sflag:$0x13], $0x2000, s18, s20, $0x38;
	[tilespmem:$0x10900] =	vst v63  }
0x96: {  	s10 =	smin.u32 s10, $0xC7;
	s5 =	smul.u32 $0xC8, s5;
	_ =	swait.ge [sflag:s28], $0x2000  }
0x97: {  	s24 =	ssub.s32 s31, s24;
	[sflag:s28] =	ssyncset.done $0x0;
	s12 =	rddreg [dreg:$0x9]  }
0x98: {  	s31 =	smul.u32 $0xA3D80, s10;
	[sflag:s28] =	ssyncadd.s32 $0xFFFFE000;
	s12 =	sadd.s32 s19, s12  }
0x99: {  	[hbm4b:s12+s20] =	stream.strided.scatter [tilespmem:s25], [sflag:$0x14], $0x2000, s18, s20, $0x38;
	[tilespmem:$0x10900] =	vst v63  }
0x9a: {  	s13 =	simm.s32 $0xA900;
	s14 =	simm.s32 $0x16;
	_ =	swait.ge [sflag:s1], $0x2000  }
0x9b: {  	s0 =	sshrl.u32 s31, $0x14;
	[sflag:s1] =	ssyncset.done $0x0;
	s31 =	rddreg [dreg:$0x8]  }
0x9c: {  	s15 =	simm.s32 $0x8900;
	[sflag:s1] =	ssyncadd.s32 $0xFFFFE000;
	s31 =	sadd.s32 s19, s31  }
0x9d: {  	[hbm4b:s31+s20] =	stream.strided.scatter [tilespmem:s15], [sflag:$0x15], $0x2000, s18, s20, $0x38;
	[tilespmem:$0x10900] =	vst v63  }
0x9e: {  	s5 =	ssub.s32 s29, s5;
	s26 =	sshll.u32 s24, $0x6;
	_ =	swait.ge [sflag:s14], $0x2000  }
0x9f: {  	s24 =	sshrl.u32 s17, $0x3;
	[sflag:s14] =	ssyncset.done $0x0;
	s31 =	rddreg [dreg:$0x7]  }
0xa0: {  	s17 =	simm.s32 $0x17;
	[sflag:s14] =	ssyncadd.s32 $0xFFFFE000;
	s31 =	sadd.s32 s19, s31  }
0xa1: {  	[hbm4b:s31+s20] =	stream.strided.scatter [tilespmem:s13], [sflag:$0x16], $0x2000, s18, s20, $0x38;
	[tilespmem:$0x10900] =	vst v63  }
0xa2: {  	s29 =	sadd.s32 s4, s29;
	s10 =	sshll.u32 s10, $0x7;
	_ =	swait.ge [sflag:s17], $0x2000  }
0xa3: {  	s12 =	smul.u32 $0xC8, s0;
	[sflag:s17] =	ssyncset.done $0x0;
	s31 =	rddreg [dreg:$0x6]  }
0xa4: {  	s0 =	simm.s32 $0x18;
	[sflag:s17] =	ssyncadd.s32 $0xFFFFE000;
	s31 =	sadd.s32 s19, s31  }
0xa5: {  	[hbm4b:s31+s20] =	stream.strided.scatter [tilespmem:s3], [sflag:$0x17], $0x2000, s18, s20, $0x38;
	[tilespmem:$0x10900] =	vst v63  }
0xa6: {  	s5 =	sshll.u32 s5, $0x6;
	s29 =	sshrl.u32 s29, $0x3;
	_ =	swait.ge [sflag:s0], $0x2000  }
0xa7: {  	s5 =	sand.u32 $0x3E00, s5;
	[sflag:s0] =	ssyncset.done $0x0;
	s31 =	rddreg [dreg:$0x5]  }
0xa8: {  	s3 =	simm.s32 $0xE900;
	[sflag:s0] =	ssyncadd.s32 $0xFFFFE000;
	s31 =	sadd.s32 s19, s31  }
0xa9: {  	[hbm4b:s31+s20] =	stream.strided.scatter [tilespmem:s3], [sflag:$0x18], $0x2000, s18, s20, $0x38;
	[tilespmem:$0x10900] =	vst v63  }
0xaa: {  	s29 =	sadd.s32 s2, s29;
	s26 =	sand.u32 $0x3E00, s26;
	s20 =	simm.s32 $0x11  }
0xab: {  	s25 =	simm.s32 $0x0;
	s12 =	ssub.s32 s10, s12;
	_ =	swait.ge [sflag:s20], $0x2000  }
0xac: {  	s10 =	sadd.s32 s4, s10;
	s12 =	sshll.u32 s12, $0x6;
	[sflag:s20] =	ssyncset.done $0x0  }
0xad: {  	s31 =	simm.s32 $0x500;
	s3 =	rddreg [dreg:$0x2];
	[sflag:s20] =	ssyncadd.s32 $0xFFFFE000  }
0xae: {  	[tilespmem:s31], [sflag:$0x1] =	stream.linear.gather [hbm4b:s29+s25], $0x80, $0x38;
	[tilespmem:$0x10900] =	vst v63  }
0xaf: {  	s10 =	sshrl.u32 s10, $0x3;
	s5 =	sadd.s32 s5, s3;
	s29 =	simm.s32 $0x900  }
0xb0: {  	[tilespmem:s29], [sflag:$0x9] =	stream.linear.gather [spmem:s5], $0x2000, $0x38;
	[tilespmem:$0x10900] =	vst v63  }
0xb1: {  	s12 =	sand.u32 $0x3E00, s12;
	s10 =	sadd.s32 s2, s10;
	_ =	swait.ge [sflag:s9], $0x2000  }
0xb2: {  	s12 =	sadd.s32 s12, s3;
	s5 =	sadd.s32 s4, s23;
	[sflag:s9] =	ssyncset.done $0x0  }
0xb3: {  	s23 =	sadd.s32 $0xFFFFFFFE, s16;
	s29 =	simm.s32 $0x580;
	[sflag:s9] =	ssyncadd.s32 $0xFFFFE000  }
0xb4: {  	[tilespmem:s29], [sflag:$0x2] =	stream.linear.gather [hbm4b:s10+s25], $0x80, $0x38;
	[tilespmem:$0x10900] =	vst v63  }
0xb5: {  	s21 =	sadd.s32 s21, s3;
	s9 =	simm.s32 $0x2900;
	s10 =	smin.u32 s23, $0xC7  }
0xb6: {  	[tilespmem:s9], [sflag:$0xA] =	stream.linear.gather [spmem:s12], $0x2000, $0x38;
	[tilespmem:$0x10900] =	vst v63  }
0xb7: {  	s5 =	sshrl.u32 s5, $0x3;
	s12 =	smul.u32 $0xA3D80, s10;
	_ =	swait.ge [sflag:s30], $0x2000  }
0xb8: {  	s5 =	sadd.s32 s2, s5;
	s10 =	sshll.u32 s10, $0x7;
	[sflag:s30] =	ssyncset.done $0x0  }
0xb9: {  	s12 =	sshrl.u32 s12, $0x14;
	[sflag:s30] =	ssyncadd.s32 $0xFFFFE000;
	s30 =	simm.s32 $0x600  }
0xba: {  	[tilespmem:s30], [sflag:$0x3] =	stream.linear.gather [hbm4b:s5+s25], $0x80, $0x38;
	[tilespmem:$0x10900] =	vst v63  }
0xbb: {  	s12 =	smul.u32 $0xC8, s12;
	s5 =	sadd.s32 s22, s3;
	s22 =	simm.s32 $0x4900  }
0xbc: {  	[tilespmem:s22], [sflag:$0xB] =	stream.linear.gather [spmem:s5], $0x2000, $0x38;
	[tilespmem:$0x10900] =	vst v63  }
0xbd: {  	s23 =	sadd.s32 $0xFFFFFFFF, s16;
	s12 =	ssub.s32 s10, s12;
	_ =	swait.ge [sflag:s28], $0x2000  }
0xbe: {  	s5 =	sadd.s32 s2, s8;
	s8 =	sshll.u32 s12, $0x6;
	[sflag:s28] =	ssyncset.done $0x0  }
0xbf: {  	s12 =	smin.u32 s23, $0xC7;
	s23 =	simm.s32 $0x680;
	[sflag:s28] =	ssyncadd.s32 $0xFFFFE000  }
0xc0: {  	[tilespmem:s23], [sflag:$0x4] =	stream.linear.gather [hbm4b:s5+s25], $0x80, $0x38;
	[tilespmem:$0x10900] =	vst v63  }
0xc1: {  	s10 =	sadd.s32 s4, s10;
	s22 =	smul.u32 $0xA3D80, s12;
	s28 =	simm.s32 $0x6900  }
0xc2: {  	[tilespmem:s28], [sflag:$0xC] =	stream.linear.gather [spmem:s21], $0x2000, $0x38;
	[tilespmem:$0x10900] =	vst v63  }
0xc3: {  	s10 =	sshrl.u32 s10, $0x3;
	s8 =	sand.u32 $0x3E00, s8;
	_ =	swait.ge [sflag:s1], $0x2000  }
0xc4: {  	s5 =	sadd.s32 s26, s3;
	s26 =	sshrl.u32 s22, $0x14;
	[sflag:s1] =	ssyncset.done $0x0  }
0xc5: {  	[sflag:s1] =	ssyncadd.s32 $0xFFFFE000;
	s1 =	sadd.s32 s2, s24;
	s24 =	simm.s32 $0x700  }
0xc6: {  	[tilespmem:s24], [sflag:$0x5] =	stream.linear.gather [hbm4b:s1+s25], $0x80, $0x38;
	[tilespmem:$0x10900] =	vst v63  }
0xc7: {  	s12 =	sshll.u32 s12, $0x7;
	s10 =	sadd.s32 s2, s10;
	s21 =	smul.u32 $0xC8, s26  }
0xc8: {  	[tilespmem:s15], [sflag:$0xD] =	stream.linear.gather [spmem:s5], $0x2000, $0x38;
	[tilespmem:$0x10900] =	vst v63  }
0xc9: {  	s8 =	sadd.s32 s8, s3;
	s22 =	smin.u32 s16, $0xC7;
	_ =	swait.ge [sflag:s14], $0x2000  }
0xca: {  	s16 =	smov.u32 s7;
	s21 =	ssub.s32 s12, s21;
	[sflag:s14] =	ssyncset.done $0x0  }
0xcb: {  	s26 =	sshll.u32 s21, $0x6;
	s21 =	simm.s32 $0x780;
	[sflag:s14] =	ssyncadd.s32 $0xFFFFE000  }
0xcc: {  	[tilespmem:s21], [sflag:$0x6] =	stream.linear.gather [hbm4b:s10+s25], $0x80, $0x38;
	[tilespmem:$0x10900] =	vst v63  }
0xcd: {  	s12 =	sadd.s32 s4, s12;
	s7 =	sand.u32 $0x3E00, s26;
	s1 =	smul.u32 $0xA3D80, s22  }
0xce: {  	[tilespmem:s13], [sflag:$0xE] =	stream.linear.gather [spmem:s8], $0x2000, $0x38;
	[tilespmem:$0x10900] =	vst v63  }
0xcf: {  	s5 =	sshrl.u32 s12, $0x3;
	s12 =	sadd.s32 s7, s3;
	_ =	swait.ge [sflag:s17], $0x2000  }
0xd0: {  	s5 =	sadd.s32 s2, s5;
	s14 =	sshrl.u32 s1, $0x14;
	[sflag:s17] =	ssyncset.done $0x0  }
0xd1: {  	s1 =	sshll.u32 s22, $0x7;
	s22 =	simm.s32 $0x800;
	[sflag:s17] =	ssyncadd.s32 $0xFFFFE000  }
0xd2: {  	[tilespmem:s22], [sflag:$0x7] =	stream.linear.gather [hbm4b:s5+s25], $0x80, $0x38;
	[tilespmem:$0x10900] =	vst v63  }
0xd3: {  	s26 =	smul.u32 $0xC8, s14;
	s14 =	sadd.s32 s4, s1;
	s17 =	simm.s32 $0xC900  }
0xd4: {  	[tilespmem:s17], [sflag:$0xF] =	stream.linear.gather [spmem:s12], $0x2000, $0x38;
	[tilespmem:$0x10900] =	vst v63  }
0xd5: {  	s10 =	simm.s32 $0x880;
	s8 =	ssub.s32 s1, s26;
	_ =	swait.ge [sflag:s0], $0x2000  }
0xd6: {  	s26 =	sshrl.u32 s14, $0x3;
	s8 =	sshll.u32 s8, $0x6;
	[sflag:s0] =	ssyncset.done $0x0  }
0xd7: {  	s1 =	sand.u32 $0x3E00, s8;
	s5 =	sadd.s32 s2, s26;
	[sflag:s0] =	ssyncadd.s32 $0xFFFFE000  }
0xd8: {  	[tilespmem:s10], [sflag:$0x8] =	stream.linear.gather [hbm4b:s5+s25], $0x80, $0x38;
	[tilespmem:$0x10900] =	vst v63  }
0xd9: {  	s14 =	simm.s32 $0xE900;
	s8 =	simm.s32 $0x1;
	s7 =	sadd.s32 s1, s3  }
0xda: {  	[tilespmem:s14], [sflag:$0x10] =	stream.linear.gather [spmem:s7], $0x2000, $0x38;
	[tilespmem:$0x10900] =	vst v63  }
0xdb: {  	_ =	swait.ge [sflag:s8], $0x80  }
0xdc: {  	[sflag:s8] =	ssyncset.done $0x0  }
0xdd: {  	s12 =	simm.s32 $0x9;
	[sflag:s8] =	ssyncadd.s32 $0xFFFFFF80  }
0xde: {  	_ =	swait.ge [sflag:s12], $0x2000  }
0xdf: {  	[sflag:s12] =	ssyncset.done $0x0  }
0xe0: {  	s26 =	simm.s32 $0x2;
	s25 =	simm.s32 $0x900;
	[sflag:s12] =	ssyncadd.s32 $0xFFFFE000  }
0xe1: {  	[tilespmem:s25], [sflag:$0x11] =	stream.indirect.gather.add.f32 [hbm:s6], $0x40, s31, s18, $0xb8;
	[tilespmem:$0x10900] =	vst v63  }
0xe2: {  	_ =	swait.ge [sflag:s26], $0x80  }
0xe3: {  	[sflag:s26] =	ssyncset.done $0x0  }
0xe4: {  	s0 =	simm.s32 $0xA;
	[sflag:s26] =	ssyncadd.s32 $0xFFFFFF80  }
0xe5: {  	_ =	swait.ge [sflag:s0], $0x2000  }
0xe6: {  	[sflag:s0] =	ssyncset.done $0x0  }
0xe7: {  	s1 =	simm.s32 $0x3;
	[sflag:s0] =	ssyncadd.s32 $0xFFFFE000  }
0xe8: {  	[tilespmem:s9], [sflag:$0x12] =	stream.indirect.gather.add.f32 [hbm:s6], $0x40, s29, s18, $0xb8;
	[tilespmem:$0x10900] =	vst v63  }
0xe9: {  	_ =	swait.ge [sflag:s1], $0x80  }
0xea: {  	[sflag:s1] =	ssyncset.done $0x0  }
0xeb: {  	s5 =	simm.s32 $0xB;
	[sflag:s1] =	ssyncadd.s32 $0xFFFFFF80  }
0xec: {  	_ =	swait.ge [sflag:s5], $0x2000  }
0xed: {  	[sflag:s5] =	ssyncset.done $0x0  }
0xee: {  	s7 =	simm.s32 $0x4900;
	s8 =	simm.s32 $0x4;
	[sflag:s5] =	ssyncadd.s32 $0xFFFFE000  }
0xef: {  	[tilespmem:s7], [sflag:$0x13] =	stream.indirect.gather.add.f32 [hbm:s6], $0x40, s30, s18, $0xb8;
	[tilespmem:$0x10900] =	vst v63  }
0xf0: {  	_ =	swait.ge [sflag:s8], $0x80  }
0xf1: {  	[sflag:s8] =	ssyncset.done $0x0  }
0xf2: {  	s9 =	simm.s32 $0xC;
	[sflag:s8] =	ssyncadd.s32 $0xFFFFFF80  }
0xf3: {  	_ =	swait.ge [sflag:s9], $0x2000  }
0xf4: {  	[sflag:s9] =	ssyncset.done $0x0  }
0xf5: {  	s25 =	simm.s32 $0x5;
	[sflag:s9] =	ssyncadd.s32 $0xFFFFE000  }
0xf6: {  	[tilespmem:s28], [sflag:$0x14] =	stream.indirect.gather.add.f32 [hbm:s6], $0x40, s23, s18, $0xb8;
	[tilespmem:$0x10900] =	vst v63  }
0xf7: {  	_ =	swait.ge [sflag:s25], $0x80  }
0xf8: {  	[sflag:s25] =	ssyncset.done $0x0  }
0xf9: {  	s28 =	simm.s32 $0xD;
	[sflag:s25] =	ssyncadd.s32 $0xFFFFFF80  }
0xfa: {  	_ =	swait.ge [sflag:s28], $0x2000  }
0xfb: {  	[sflag:s28] =	ssyncset.done $0x0  }
0xfc: {  	s3 =	simm.s32 $0x6;
	[sflag:s28] =	ssyncadd.s32 $0xFFFFE000  }
0xfd: {  	[tilespmem:s15], [sflag:$0x15] =	stream.indirect.gather.add.f32 [hbm:s6], $0x40, s24, s18, $0xb8;
	[tilespmem:$0x10900] =	vst v63  }
0xfe: {  	_ =	swait.ge [sflag:s3], $0x80  }
0xff: {  	[sflag:s3] =	ssyncset.done $0x0  }
0x100: {  	s5 =	simm.s32 $0xE;
	[sflag:s3] =	ssyncadd.s32 $0xFFFFFF80  }
0x101: {  	_ =	swait.ge [sflag:s5], $0x2000  }
0x102: {  	[sflag:s5] =	ssyncset.done $0x0  }
0x103: {  	s8 =	simm.s32 $0x7;
	[sflag:s5] =	ssyncadd.s32 $0xFFFFE000  }
0x104: {  	[tilespmem:s13], [sflag:$0x16] =	stream.indirect.gather.add.f32 [hbm:s6], $0x40, s21, s18, $0xb8;
	[tilespmem:$0x10900] =	vst v63  }
0x105: {  	_ =	swait.ge [sflag:s8], $0x80  }
0x106: {  	s19 =	sadd.s32 $0x4000, s19;
	s12 =	simm.s32 $0x500;
	[sflag:s8] =	ssyncset.done $0x0  }
0x107: {  	s31 =	simm.s32 $0x780;
	s13 =	simm.s32 $0xF;
	[sflag:s8] =	ssyncadd.s32 $0xFFFFFF80  }
0x108: {  	s26 =	simm.s32 $0x580;
	s7 =	sadd.s32 $0xFFFFFFFB, s16;
	_ =	swait.ge [sflag:s13], $0x2000  }
0x109: {  	s29 =	simm.s32 $0x680;
	s5 =	smin.u32 s7, $0xC7;
	[sflag:s13] =	ssyncset.done $0x0  }
0x10a: {  	s1 =	simm.s32 $0x600;
	s9 =	smul.u32 $0xA3D80, s5;
	[sflag:s13] =	ssyncadd.s32 $0xFFFFE000  }
0x10b: {  	[tilespmem:s17], [sflag:$0x17] =	stream.indirect.gather.add.f32 [hbm:s6], $0x40, s22, s18, $0xb8;
	[tilespmem:$0x10900] =	vst v63  }
0x10c: {  	s30 =	simm.s32 $0x700;
	s15 =	sadd.s32 $0xFFFFFFFC, s16;
	s17 =	simm.s32 $0x8  }
0x10d: {  	s23 =	sshll.u32 s5, $0x7;
	s7 =	sshrl.u32 s9, $0x14;
	_ =	swait.ge [sflag:s17], $0x80  }
0x10e: {  	s5 =	smin.u32 s15, $0xC7;
	s7 =	smul.u32 $0xC8, s7;
	[sflag:s17] =	ssyncset.done $0x0  }
0x10f: {  	s24 =	simm.s32 $0x10;
	s21 =	smul.u32 $0xA3D80, s5;
	[sflag:s17] =	ssyncadd.s32 $0xFFFFFF80  }
0x110: {  	s15 =	simm.s32 $0x880;
	s7 =	ssub.s32 s23, s7;
	_ =	swait.ge [sflag:s24], $0x2000  }
0x111: {  	s25 =	sshrl.u32 s21, $0x14;
	s7 =	sshll.u32 s7, $0x6;
	[sflag:s24] =	ssyncset.done $0x0  }
0x112: {  	s22 =	sand.u32 $0x3E00, s7;
	s7 =	smul.u32 $0xC8, s25;
	[sflag:s24] =	ssyncadd.s32 $0xFFFFE000  }
0x113: {  	[tilespmem:s14], [sflag:$0x18] =	stream.indirect.gather.add.f32 [hbm:s6], $0x40, s10, s18, $0xb8;
	[tilespmem:$0x10900] =	vst v63  }
.Ltmp0:
0x114: {  	s5 =	sshll.u32 s5, $0x7;
	s13 =	simm.s32 $0x800;
	(pc) =	sbr.rel @p1 .LBB2_2-.Ltmp0, $4  }
0x115: {  	s7 =	ssub.s32 s5, s7;
	s5 =	sadd.s32 s4, s5;
	_ =	swait.ge [sflag:s20], $0x2000  }
0x116: {  	s7 =	sshll.u32 s7, $0x6;
	s8 =	sshrl.u32 s5, $0x3;
	s28 =	rddreg [dreg:$0x4]  }
0x117: {  	s21 =	sand.u32 $0x3E00, s7;
	[sflag:s20] =	ssyncset.done $0x0;
	s24 =	rddreg [dreg:$0xc]  }
0x118: {  	[sflag:s20] =	ssyncadd.s32 $0xFFFFE000;
	s20 =	simm.s32 $0x40;
	s7 =	sadd.s32 s19, s28  }
0x119: {  	s0 =	simm.s32 $0x900  }
0x11a: {  	[hbm4b:s7+s20] =	stream.strided.scatter [tilespmem:s0], [sflag:$0x11], $0x2000, s18, s20, $0x38;
	[tilespmem:$0x10900] =	vst v63  }
0x11b: {  	s0 =	simm.s32 $0x12  }
0x11c: {  	_ =	swait.ge [sflag:s0], $0x2000  }
0x11d: {  	s3 =	simm.s32 $0x2900;
	s5 =	rddreg [dreg:$0xb];
	[sflag:s0] =	ssyncset.done $0x0  }
0x11e: {  	s9 =	simm.s32 $0x13;
	[sflag:s0] =	ssyncadd.s32 $0xFFFFE000;
	s5 =	sadd.s32 s19, s5  }
0x11f: {  	[hbm4b:s5+s20] =	stream.strided.scatter [tilespmem:s3], [sflag:$0x12], $0x2000, s18, s20, $0x38;
	[tilespmem:$0x10900] =	vst v63  }
0x120: {  	_ =	swait.ge [sflag:s9], $0x2000  }
0x121: {  	s24 =	simm.s32 $0x4900;
	s17 =	rddreg [dreg:$0xa];
	[sflag:s9] =	ssyncset.done $0x0  }
0x122: {  	s14 =	simm.s32 $0x14;
	[sflag:s9] =	ssyncadd.s32 $0xFFFFE000;
	s5 =	sadd.s32 s19, s17  }
0x123: {  	[hbm4b:s5+s20] =	stream.strided.scatter [tilespmem:s24], [sflag:$0x13], $0x2000, s18, s20, $0x38;
	[tilespmem:$0x10900] =	vst v63  }
0x124: {  	_ =	swait.ge [sflag:s14], $0x2000  }
0x125: {  	s28 =	simm.s32 $0x6900;
	s25 =	rddreg [dreg:$0x9];
	[sflag:s14] =	ssyncset.done $0x0  }
0x126: {  	s24 =	simm.s32 $0x15;
	[sflag:s14] =	ssyncadd.s32 $0xFFFFE000;
	s5 =	sadd.s32 s19, s25  }
0x127: {  	[hbm4b:s5+s20] =	stream.strided.scatter [tilespmem:s28], [sflag:$0x14], $0x2000, s18, s20, $0x38;
	[tilespmem:$0x10900] =	vst v63  }
0x128: {  	_ =	swait.ge [sflag:s24], $0x2000  }
0x129: {  	s10 =	simm.s32 $0x8900;
	s7 =	rddreg [dreg:$0x8];
	[sflag:s24] =	ssyncset.done $0x0  }
0x12a: {  	s28 =	simm.s32 $0x16;
	[sflag:s24] =	ssyncadd.s32 $0xFFFFE000;
	s5 =	sadd.s32 s19, s7  }
0x12b: {  	[hbm4b:s5+s20] =	stream.strided.scatter [tilespmem:s10], [sflag:$0x15], $0x2000, s18, s20, $0x38;
	[tilespmem:$0x10900] =	vst v63  }
0x12c: {  	_ =	swait.ge [sflag:s28], $0x2000  }
0x12d: {  	s17 =	rddreg [dreg:$0x7];
	[sflag:s28] =	ssyncset.done $0x0  }
0x12e: {  	s25 =	simm.s32 $0xA900;
	[sflag:s28] =	ssyncadd.s32 $0xFFFFE000;
	s5 =	sadd.s32 s19, s17  }
0x12f: {  	[hbm4b:s5+s20] =	stream.strided.scatter [tilespmem:s25], [sflag:$0x16], $0x2000, s18, s20, $0x38;
	[tilespmem:$0x10900] =	vst v63  }
0x130: {  	s25 =	simm.s32 $0x17  }
0x131: {  	_ =	swait.ge [sflag:s25], $0x2000  }
0x132: {  	s10 =	simm.s32 $0xC900;
	s7 =	rddreg [dreg:$0x6];
	[sflag:s25] =	ssyncset.done $0x0  }
0x133: {  	s17 =	smin.u32 s11, $0xC7;
	[sflag:s25] =	ssyncadd.s32 $0xFFFFE000;
	s5 =	sadd.s32 s19, s7  }
0x134: {  	[hbm4b:s5+s20] =	stream.strided.scatter [tilespmem:s10], [sflag:$0x17], $0x2000, s18, s20, $0x38;
	[tilespmem:$0x10900] =	vst v63  }
0x135: {  	s3 =	simm.s32 $0x18;
	s10 =	smul.u32 $0xA3D80, s17  }
0x136: {  	s5 =	sshll.u32 s17, $0x7;
	_ =	swait.ge [sflag:s3], $0x2000  }
0x137: {  	s17 =	sadd.s32 $0xFFFFFFFA, s16;
	s11 =	rddreg [dreg:$0x5];
	s10 =	sshrl.u32 s10, $0x14  }
0x138: {  	[sflag:s3] =	ssyncset.done $0x0;
	s7 =	sadd.s32 s19, s11;
	s10 =	smul.u32 $0xC8, s10  }
0x139: {  	[sflag:s3] =	ssyncadd.s32 $0xFFFFE000;
	s19 =	simm.s32 $0xE900;
	s3 =	simm.s32 $0x11  }
0x13a: {  	[hbm4b:s7+s20] =	stream.strided.scatter [tilespmem:s19], [sflag:$0x18], $0x2000, s18, s20, $0x38;
	[tilespmem:$0x10900] =	vst v63  }
0x13b: {  	s7 =	ssub.s32 s5, s10;
	s5 =	sadd.s32 s4, s5;
	_ =	swait.ge [sflag:s3], $0x2000  }
0x13c: {  	s10 =	smin.u32 s17, $0xC7;
	s17 =	simm.s32 $0x0;
	s5 =	sshrl.u32 s5, $0x3  }
0x13d: {  	[sflag:s3] =	ssyncset.done $0x0;
	s7 =	sshll.u32 s7, $0x6;
	s5 =	sadd.s32 s2, s5  }
0x13e: {  	[sflag:s3] =	ssyncadd.s32 $0xFFFFE000;
	s3 =	smul.u32 $0xA3D80, s10;
	s7 =	sand.u32 $0x3E00, s7  }
0x13f: {  	[tilespmem:s12], [sflag:$0x1] =	stream.linear.gather [hbm4b:s5+s17], $0x80, $0x38;
	[tilespmem:$0x10900] =	vst v63  }
0x140: {  	s10 =	sshll.u32 s10, $0x7;
	s5 =	sshrl.u32 s3, $0x14;
	s3 =	rddreg [dreg:$0x2]  }
0x141: {  	s12 =	simm.s32 $0x900;
	s7 =	sadd.s32 s7, s3;
	s5 =	smul.u32 $0xC8, s5  }
0x142: {  	[tilespmem:s12], [sflag:$0x9] =	stream.linear.gather [spmem:s7], $0x2000, $0x38;
	[tilespmem:$0x10900] =	vst v63  }
0x143: {  	s12 =	sadd.s32 s4, s10;
	_ =	swait.ge [sflag:s0], $0x2000;
	s5 =	ssub.s32 s10, s5  }
0x144: {  	s7 =	sshrl.u32 s12, $0x3;
	[sflag:s0] =	ssyncset.done $0x0;
	s5 =	sshll.u32 s5, $0x6  }
0x145: {  	s7 =	sadd.s32 s2, s7;
	[sflag:s0] =	ssyncadd.s32 $0xFFFFE000;
	s5 =	sand.u32 $0x3E00, s5  }
0x146: {  	[tilespmem:s26], [sflag:$0x2] =	stream.linear.gather [hbm4b:s7+s17], $0x80, $0x38;
	[tilespmem:$0x10900] =	vst v63  }
0x147: {  	s10 =	simm.s32 $0x2900;
	s5 =	sadd.s32 s5, s3  }
0x148: {  	[tilespmem:s10], [sflag:$0xA] =	stream.linear.gather [spmem:s5], $0x2000, $0x38;
	[tilespmem:$0x10900] =	vst v63  }
0x149: {  	s12 =	sadd.s32 s4, s23;
	_ =	swait.ge [sflag:s9], $0x2000  }
0x14a: {  	s5 =	sshrl.u32 s12, $0x3;
	[sflag:s9] =	ssyncset.done $0x0  }
0x14b: {  	s0 =	sadd.s32 $0xFFFFFFFD, s16;
	s5 =	sadd.s32 s2, s5;
	[sflag:s9] =	ssyncadd.s32 $0xFFFFE000  }
0x14c: {  	[tilespmem:s1], [sflag:$0x3] =	stream.linear.gather [hbm4b:s5+s17], $0x80, $0x38;
	[tilespmem:$0x10900] =	vst v63  }
0x14d: {  	s8 =	sadd.s32 s2, s8;
	s5 =	smin.u32 s0, $0xC7  }
0x14e: {  	s23 =	sadd.s32 s22, s3;
	s26 =	simm.s32 $0x4900;
	s1 =	smul.u32 $0xA3D80, s5  }
0x14f: {  	[tilespmem:s26], [sflag:$0xB] =	stream.linear.gather [spmem:s23], $0x2000, $0x38;
	[tilespmem:$0x10900] =	vst v63  }
0x150: {  	s10 =	simm.s32 $0x6900;
	s12 =	sadd.s32 $0xFFFFFFFE, s16;
	_ =	swait.ge [sflag:s14], $0x2000  }
0x151: {  	s9 =	sadd.s32 s21, s3;
	s7 =	sshrl.u32 s1, $0x14;
	[sflag:s14] =	ssyncset.done $0x0  }
0x152: {  	s5 =	sshll.u32 s5, $0x7;
	s7 =	smul.u32 $0xC8, s7;
	[sflag:s14] =	ssyncadd.s32 $0xFFFFE000  }
0x153: {  	[tilespmem:s29], [sflag:$0x4] =	stream.linear.gather [hbm4b:s8+s17], $0x80, $0x38;
	[tilespmem:$0x10900] =	vst v63  }
0x154: {  	s21 =	simm.s32 $0x8900;
	s7 =	ssub.s32 s5, s7;
	s5 =	sadd.s32 s4, s5  }
0x155: {  	[tilespmem:s10], [sflag:$0xC] =	stream.linear.gather [spmem:s9], $0x2000, $0x38;
	[tilespmem:$0x10900] =	vst v63  }
0x156: {  	s8 =	smin.u32 s12, $0xC7;
	s7 =	sshll.u32 s7, $0x6;
	_ =	swait.ge [sflag:s24], $0x2000  }
0x157: {  	s5 =	sshrl.u32 s5, $0x3;
	s14 =	sshll.u32 s8, $0x7;
	[sflag:s24] =	ssyncset.done $0x0  }
0x158: {  	s7 =	sand.u32 $0x3E00, s7;
	s5 =	sadd.s32 s2, s5;
	[sflag:s24] =	ssyncadd.s32 $0xFFFFE000  }
0x159: {  	[tilespmem:s30], [sflag:$0x5] =	stream.linear.gather [hbm4b:s5+s17], $0x80, $0x38;
	[tilespmem:$0x10900] =	vst v63  }
0x15a: {  	s22 =	smul.u32 $0xA3D80, s8;
	s23 =	sadd.s32 s4, s14;
	s7 =	sadd.s32 s7, s3  }
0x15b: {  	[tilespmem:s21], [sflag:$0xD] =	stream.linear.gather [spmem:s7], $0x2000, $0x38;
	[tilespmem:$0x10900] =	vst v63  }
0x15c: {  	s8 =	sshrl.u32 s23, $0x3;
	_ =	swait.ge [sflag:s28], $0x2000  }
0x15d: {  	s8 =	sadd.s32 s2, s8;
	s7 =	sshrl.u32 s22, $0x14;
	[sflag:s28] =	ssyncset.done $0x0  }
0x15e: {  	s24 =	sadd.s32 $0xFFFFFFFF, s16;
	s7 =	smul.u32 $0xC8, s7;
	[sflag:s28] =	ssyncadd.s32 $0xFFFFE000  }
0x15f: {  	[tilespmem:s31], [sflag:$0x6] =	stream.linear.gather [hbm4b:s8+s17], $0x80, $0x38;
	[tilespmem:$0x10900] =	vst v63  }
0x160: {  	s5 =	ssub.s32 s14, s7;
	s8 =	smin.u32 s24, $0xC7  }
0x161: {  	s5 =	sshll.u32 s5, $0x6;
	s26 =	smul.u32 $0xA3D80, s8  }
0x162: {  	s30 =	smin.u32 s16, $0xC7;
	s28 =	simm.s32 $0xA900;
	s5 =	sand.u32 $0x3E00, s5  }
0x163: {  	s8 =	sshll.u32 s8, $0x7;
	s5 =	sadd.s32 s5, s3;
	s7 =	sshrl.u32 s26, $0x14  }
0x164: {  	[tilespmem:s28], [sflag:$0xE] =	stream.linear.gather [spmem:s5], $0x2000, $0x38;
	[tilespmem:$0x10900] =	vst v63  }
0x165: {  	s29 =	sadd.s32 s4, s8;
	s7 =	smul.u32 $0xC8, s7;
	_ =	swait.ge [sflag:s25], $0x2000  }
0x166: {  	s0 =	smul.u32 $0xA3D80, s30;
	s5 =	sshrl.u32 s29, $0x3;
	[sflag:s25] =	ssyncset.done $0x0  }
0x167: {  	s5 =	sadd.s32 s2, s5;
	s7 =	ssub.s32 s8, s7;
	[sflag:s25] =	ssyncadd.s32 $0xFFFFE000  }
0x168: {  	[tilespmem:s13], [sflag:$0x7] =	stream.linear.gather [hbm4b:s5+s17], $0x80, $0x38;
	[tilespmem:$0x10900] =	vst v63  }
0x169: {  	s11 =	simm.s32 $0x18;
	s31 =	sshll.u32 s7, $0x6  }
0x16a: {  	s1 =	simm.s32 $0xC900;
	s7 =	sshrl.u32 s0, $0x14;
	s5 =	sand.u32 $0x3E00, s31  }
0x16b: {  	s8 =	sshll.u32 s30, $0x7;
	s9 =	smul.u32 $0xC8, s7;
	s5 =	sadd.s32 s5, s3  }
0x16c: {  	[tilespmem:s1], [sflag:$0xF] =	stream.linear.gather [spmem:s5], $0x2000, $0x38;
	[tilespmem:$0x10900] =	vst v63  }
0x16d: {  	s10 =	sadd.s32 s4, s8;
	s5 =	ssub.s32 s8, s9;
	_ =	swait.ge [sflag:s11], $0x2000  }
0x16e: {  	s7 =	sshrl.u32 s10, $0x3;
	s5 =	sshll.u32 s5, $0x6;
	[sflag:s11] =	ssyncset.done $0x0  }
0x16f: {  	s7 =	sadd.s32 s2, s7;
	s5 =	sand.u32 $0x3E00, s5;
	[sflag:s11] =	ssyncadd.s32 $0xFFFFE000  }
0x170: {  	[tilespmem:s15], [sflag:$0x8] =	stream.linear.gather [hbm4b:s7+s17], $0x80, $0x38;
	[tilespmem:$0x10900] =	vst v63  }
0x171: {  	s5 =	sadd.s32 s5, s3;
	s11 =	simm.s32 $0x1  }
0x172: {  	[tilespmem:s19], [sflag:$0x10] =	stream.linear.gather [spmem:s5], $0x2000, $0x38;
	[tilespmem:$0x10900] =	vst v63  }
0x173: {  	_ =	swait.ge [sflag:s11], $0x80  }
0x174: {  	[sflag:s11] =	ssyncset.done $0x0  }
0x175: {  	s12 =	simm.s32 $0x9;
	[sflag:s11] =	ssyncadd.s32 $0xFFFFFF80  }
0x176: {  	_ =	swait.ge [sflag:s12], $0x2000  }
0x177: {  	[sflag:s12] =	ssyncset.done $0x0  }
0x178: {  	s13 =	simm.s32 $0x2;
	[sflag:s12] =	ssyncadd.s32 $0xFFFFE000  }
0x179: {  	_ =	swait.ge [sflag:s13], $0x80  }
0x17a: {  	[sflag:s13] =	ssyncset.done $0x0  }
0x17b: {  	s14 =	simm.s32 $0xA;
	[sflag:s13] =	ssyncadd.s32 $0xFFFFFF80  }
0x17c: {  	_ =	swait.ge [sflag:s14], $0x2000  }
0x17d: {  	[sflag:s14] =	ssyncset.done $0x0  }
0x17e: {  	s15 =	simm.s32 $0x3;
	[sflag:s14] =	ssyncadd.s32 $0xFFFFE000  }
0x17f: {  	_ =	swait.ge [sflag:s15], $0x80  }
0x180: {  	[sflag:s15] =	ssyncset.done $0x0  }
0x181: {  	s16 =	simm.s32 $0xB;
	[sflag:s15] =	ssyncadd.s32 $0xFFFFFF80  }
0x182: {  	_ =	swait.ge [sflag:s16], $0x2000  }
0x183: {  	[sflag:s16] =	ssyncset.done $0x0  }
0x184: {  	s17 =	simm.s32 $0x4;
	[sflag:s16] =	ssyncadd.s32 $0xFFFFE000  }
0x185: {  	_ =	swait.ge [sflag:s17], $0x80  }
0x186: {  	[sflag:s17] =	ssyncset.done $0x0  }
0x187: {  	s19 =	simm.s32 $0xC;
	[sflag:s17] =	ssyncadd.s32 $0xFFFFFF80  }
0x188: {  	_ =	swait.ge [sflag:s19], $0x2000  }
0x189: {  	[sflag:s19] =	ssyncset.done $0x0  }
0x18a: {  	s21 =	simm.s32 $0x5;
	[sflag:s19] =	ssyncadd.s32 $0xFFFFE000  }
0x18b: {  	_ =	swait.ge [sflag:s21], $0x80  }
0x18c: {  	[sflag:s21] =	ssyncset.done $0x0  }
0x18d: {  	s22 =	simm.s32 $0xD;
	[sflag:s21] =	ssyncadd.s32 $0xFFFFFF80  }
0x18e: {  	_ =	swait.ge [sflag:s22], $0x2000  }
0x18f: {  	[sflag:s22] =	ssyncset.done $0x0  }
0x190: {  	s23 =	simm.s32 $0x6;
	[sflag:s22] =	ssyncadd.s32 $0xFFFFE000  }
0x191: {  	_ =	swait.ge [sflag:s23], $0x80  }
0x192: {  	[sflag:s23] =	ssyncset.done $0x0  }
0x193: {  	s24 =	simm.s32 $0xE;
	[sflag:s23] =	ssyncadd.s32 $0xFFFFFF80  }
0x194: {  	_ =	swait.ge [sflag:s24], $0x2000  }
0x195: {  	[sflag:s24] =	ssyncset.done $0x0  }
0x196: {  	s25 =	simm.s32 $0x7;
	[sflag:s24] =	ssyncadd.s32 $0xFFFFE000  }
0x197: {  	_ =	swait.ge [sflag:s25], $0x80  }
0x198: {  	[sflag:s25] =	ssyncset.done $0x0  }
0x199: {  	s26 =	simm.s32 $0xF;
	[sflag:s25] =	ssyncadd.s32 $0xFFFFFF80  }
0x19a: {  	_ =	swait.ge [sflag:s26], $0x2000  }
0x19b: {  	[sflag:s26] =	ssyncset.done $0x0  }
0x19c: {  	s28 =	simm.s32 $0x8;
	[sflag:s26] =	ssyncadd.s32 $0xFFFFE000  }
0x19d: {  	_ =	swait.ge [sflag:s28], $0x80  }
0x19e: {  	[sflag:s28] =	ssyncset.done $0x0  }
0x19f: {  	s29 =	simm.s32 $0x10;
	[sflag:s28] =	ssyncadd.s32 $0xFFFFFF80  }
0x1a0: {  	_ =	swait.ge [sflag:s29], $0x2000  }
0x1a1: {  	s30 =	rddreg [dreg:$0x1f]  }
0x1a2: {  	s31 =	rddreg [dreg:$0x1e];
	s1 =	sadd.s32 $0x1, s30  }
0x1a3: {  	p1 =	sne.s32 s1, s31  }
.Ltmp1:
0x1a4: {  	_ = 	snop;
	(pc) =	sbr.rel @p1 .LBB2_1-.Ltmp1, $3  }
0x1a5: {  	_ =	sdelay $0x1  }
0x1a6: {  	[sflag:s29] =	ssyncset.done $0x0  }
0x1a7: {  	[sflag:s29] =	ssyncadd.s32 $0xFFFFE000  }
0x1a8: {  	_ =	sfence.sel $0x180000  }
0x1a9: {  	[bflag:$0x0] =	sbarrier.arrive $0xFFFF  }
0x1aa: {  	_ =	strace $0x90000047  }
0x1ab: {  	[bflag:$0x2] =	sbarrier.arrive $0xFFFF  }
0x1ac: {  	s0 =	rddreg [dreg:$0x3]  }
0x1ad: {  	s0 =	sadd.s32 @!p0 $0x100000, s0  }
0x1ae: {  	[sflag:s0] =	ssyncadd.tile.s32 @!p0 $0x1;
	_ =	shalt  }
.Lfunc_end2:
_tile_overlayer_lowered:
.L_overlay_start_2:
0x1af: {  	(tag) =	ssettag $0x2  }
0x1b0: {  	s0 =	rddreg [dreg:$0x0];
	s2 =	stileid.u32  }
0x1b1: {  	s1 =	rddreg [dreg:$0x1];
	p0 =	sne.s32 s2, $0x0  }
0x1b2: {  	s3 =	rddreg [dreg:$0x2];
	[bflag:$0x3] =	sbarrier.arrive $0xFFFF;
	s2 =	simm.s32 @!p0 $0x1C19  }
0x1b3: {  	[timem:s3], [sflag:s2] =	dma.local @!p0 [hbm:s0], s1  }
0x1b4: {  	s0 =	simm.s32 @!p0 $0x19  }
0x1b5: {  	_ =	swait.ge @!p0 [sflag:s0], s1  }
0x1b6: {  	s1 =	ssub.s32 @!p0 $0x0, s1;
	[sflag:s0] =	ssyncset.done @!p0 $0x0  }
0x1b7: {  	[sflag:s0] =	ssyncadd.s32 @!p0 s1  }
0x1b8: {  	[bflag:$0x3] =	sbarrier.arrive $0xFFFF  }
0x1b9: {  	_ =	shalt  }

// kernel: sparse-core-data-format-call.cloned.1.call-start
scs
called_computation_lowered:
.L_overlay_start_0:
0x0: {  	s2 =	sld [smem:$0x3FD9]  }
0x1: {  	s3 =	sld [smem:$0x3FFE];
	_ =	sdelay $0x1  }
0x2: {  	s1 =	srdreg.scid  }
0x3: {  	s0 =	sand.u32 $0x1, s1  }
0x4: {  	s18 =	sshll.u32 s0, $0xA;
	s2 =	sadd.s32 s3, s2  }
0x5: {  	s2 =	sadd.s32 s2, s18  }
0x6: {  	[smem:$0x3FC5] =	sst s2  }
0x7: {  	_ = 	snop  }
0x8: {  	s2 =	sld [smem:$0x3FD0];
	(tm) =	ssettm $0x1  }
0x9: {  	s19 =	sld [smem:$0x3FFB];
	_ =	sdelay $0x3  }
0xa: {  	_ =	strace s19  }
0xb: {  	s3 =	sld [smem:$0x3FFC];
	_ =	sdelay $0x3  }
0xc: {  	_ =	strace s3  }
0xd: {  	s3 =	sld [smem:$0x3FFD];
	_ =	sdelay $0x3  }
0xe: {  	_ =	strace s3  }
0xf: {  	_ =	strace $0x8FFFFFFF  }
0x10: {  	s20 =	sld [smem:$0x3FDB];
	_ =	sdelay $0x1  }
0x11: {  	s4 =	simm.s32 $_scs_section_size  }
0x12: {  	s5 =	simm.s32 $_size__tile_overlayer_lowered;
	s6 =	simm.s32 $_tile_overlayer_lowered  }
0x13: {  	s23 =	simm.s32 $0x1BFF;
	s22 =	sshll.u32 s6, $0x1;
	s3 =	sadd.s32 s4, s20  }
0x14: {  	s7 =	simm.s32 $0x0;
	s21 =	sshll.u32 s5, $0x1;
	s5 =	sadd.s32 s22, s3  }
0x15: {  	[timem:s7], [sflag:s23] =	dma.local [hbm:s5], s21  }
0x16: {  	_ =	swait.ge [sflag:s23], s21  }
0x17: {  	s4 =	ssub.s32 $0x0, s21;
	[sflag:s23] =	ssyncset.done $0x0  }
0x18: {  	[sflag:s23] =	ssyncadd.s32 s4;
	_ =	sdelay $0x1  }
0x19: {  	s24 =	simm.s32 $0x1B8B  }
0x1a: {  	_ =	swait.ge [sflag:s24], $0x1  }
0x1b: {  	[sflag:s24] =	ssyncset.done $0x0  }
0x1c: {  	s26 =	simm.s32 $0x1B8E;
	s25 =	sld [smem:$0x3FFE];
	[sflag:s24] =	ssyncadd.s32 $0xFFFFFFFF  }
0x1d: {  	s27 =	simm.s32 $execute0_lowered;
	[smem:$0x3FD2] =	sst s26  }
0x1e: {  	s5 =	sshll.u32 s27, $0x1;
	_ =	strace $0x80000049;
	[dreg:$0x1] =	wrdreg $0xFFFFFFFF  }
0x1f: {  	s28 =	simm.s32 $_size_execute0_lowered;
	s3 =	sadd.s32 s3, s5;
	[dreg:$0x0] =	wrdreg $0x0  }
0x20: {  	s5 =	sshll.u32 s28, $0x1;
	[dreg:$0x2] =	wrdreg s3  }
0x21: {  	[dreg:$0x3] =	wrdreg s5  }
0x22: {  	[dreg:$0x4] =	wrdreg $0xC0  }
0x23: {  	_ =	task [dreg:s7], $0x5FFFF  }
0x24: {  	[dreg:$0x1] =	wrdreg $0xFFFFFFFF  }
0x25: {  	[dreg:$0x0] =	wrdreg $0x60  }
0x26: {  	[dreg:$0x2] =	wrdreg s25  }
0x27: {  	[dreg:$0x3] =	wrdreg s2  }
0x28: {  	[dreg:$0x4] =	wrdreg $0x9  }
0x29: {  	_ =	task.clear_ibuf [dreg:s7], $0x5FFFF;
	_ =	strace $0x90000049  }
0x2a: {  	s29 =	simm.s32 $0x9;
	_ =	strace $0x8000004B  }
0x2b: {  	_ =	swait.ge [sflag:s29], $0x1  }
0x2c: {  	[sflag:s29] =	ssyncadd.s32 $0xFFFFFFFF  }
0x2d: {  	_ =	strace $0x9000004B  }
0x2e: {  	_ =	sfence  }
0x2f: {  	s30 =	sld [smem:$0x0];
	_ =	sdelay $0x2  }
0x30: {  	s31 =	sshll.u32 s1, $0xD;
	s1 =	sshrl.u32 s1, $0x2  }
0x31: {  	s3 =	sand.u32 $0x4000, s31;
	s1 =	sadd.s32 s1, s30  }
0x32: {  	s0 =	sor.u32 s3, s0;
	s1 =	sshll.u32 s1, $0x11  }
0x33: {  	s0 =	sor.u32 s1, s0  }
0x34: {  	s0 =	sadd.s32 $0x8F2B, s0  }
0x35: {  	[sflag:s0] =	ssyncadd.remote.s32 $0x1  }
0x36: {  	_ =	sfence.sel $0xFFFF  }
0x37: {  	[dreg:$0x0] =	wrdreg $0xFFFFFFFF;
	(pc) =	sbr.abs _section_cstart, $3  }
0x38: {  	[dreg:$0x1] =	wrdreg $0xFFFFFFFF  }
0x39: {  	_ =	task.clear_ibuf [dreg:s7], $0x2FFFF;
	_ =	strace $0x9FFFFFFF  }
0x3a: {  	(tm) =	ssettm $0x7FFFFFFF  }
0x3b: {  	_ =	shalt  }
tec
execute0_lowered:
.L_overlay_start_1:
0x0: {  	(tag) =	ssettag $0x1  }
0x1: {  	s0 =	srdreg.scid  }
0x2: {  	s1 =	sshll.u32 s0, $0x4  }
0x3: {  	s0 =	stileid.u32;
	s1 =	sand.u32 $0x10, s1  }
0x4: {  	s1 =	sor.u32 s0, s1  }
0x5: {  	s6 =	rddreg [dreg:$0x0];
	s4 =	simm.s32 $0x1;
	s2 =	sshll.u32 s1, $0x7  }
0x6: {  	s7 =	simm.s32 $0x2;
	s12 =	simm.s32 $0x0;
	s1 =	ssub.s32 $0x1000, s2  }
0x7: {  	s8 =	simm.s32 $0x8000;
	s13 =	simm.s32 $0x0;
	s3 =	sand.u32 $0xF80, s1  }
0x8: {  	s9 =	simm.s32 $0x0;
	s5 =	sshrl.u32 s1, $0xC;
	p0 =	sne.s32 s3, $0x0  }
.Ltmp0:
0x9: {  	s1 =	rddreg [dreg:$0x2];
	s4 =	simm.s32 @!p0 $0x0;
	(pc) =	sbr.rel .LBB1_1-.Ltmp0, $4  }
0xa: {  	s11 =	simm.s32 $0x0;
	s3 =	rddreg [dreg:$0x1];
	s5 =	sadd.s32 s4, s5  }
0xb: {  	_ =	strace $0x8000004A;
	s4 =	simm.s32 $0x1;
	s5 =	smul.u32 $0xC8, s5  }
0xc: {  	s6 =	sadd.s32 $0x1C00, s6;
	s10 =	smov.u32 s2;
	[sflag:s4] =	ssyncpa.u1 $0x0  }
0xd: {  	p0 =	por $0x0, $0x0;
	[sflag:s7] =	ssyncpa.u1 $0x0;
	s7 =	sor.u32 $0x1, s5  }
.LBB1_4:
0xe: {  	s16 =	sshll.u32 s13, $0x3;
	s17 =	sand.u32 $0x78, s13  }
0xf: {  	s30 =	sand.u32 $0x7E00, s13;
	s12 =	sshll.u32 s12, $0xF;
	s16 =	sand.u32 $0xC00, s16  }
0x10: {  	[tilespmem:s15+$0x810 ss:$0x81] =	vst.msk $0xffff, v2;
	s31 =	sand.u32 $0x7, s13;
	s16 =	sor.u32 s17, s16;
	s17 =	sadd.s32 s3, s30  }
0x11: {  	[tilespmem:s15+$0x1020 ss:$0x81] =	vst.msk $0xffff, v0;
	s13 =	sshll.u32 s31, $0x12;
	s12 =	sadd.s32 s12, s17;
	s16 =	sshrl.u32 s16, $0x3  }
0x12: {  	[tilespmem:s15+$0x0 ss:$0x81] =	vst.msk $0xffff, v1;
	s13 =	sor.u32 $0x400, s13;
	s12 =	sadd.s32 s16, s12  }
0x13: {  	[hbm4b:s12+s13] =	stream.strided.scatter [tilespmem:s14], [sflag:$0x2], $0x2000, s8, s13, $0x20;
	[tilespmem:$0x8080] =	vst v63  }
.LBB1_5:
0x14: {  	s14 =	sadd.s32 $0x1, s9  }
0x15: {  	s12 =	sadd.s32 $0x1000, s10;
	s16 =	smov.u32 s10;
	p2 =	sgt.s32 s14, $0xC7  }
0x16: {  	s16 =	smov.u32 @p2 s12  }
0x17: {  	s14 =	simm.s32 @p2 $0x0;
	p2 =	sgt.s32 s16, $0xFFF  }
0x18: {  	s16 =	smov.u32 @p2 s2;
	p2 =	sne.s32 s11, s7  }
.Ltmp1:
0x19: {  	p1 =	slt.u32 s11, $0x2;
	(pc) =	sbr.rel @!p2 .LBB1_6-.Ltmp1, $4  }
0x1a: {  	s15 =	simm.s32 @!p1 $0x2  }
0x1b: {  	s13 =	smov.u32 s10;
	p0 =	por !p0, !p0;
	_ =	swait.ge @!p1 [sflag:s15], $0x2000  }
0x1c: {  	s12 =	smov.u32 s9;
	[sflag:s15] =	ssyncset.done @!p1 $0x0;
	s9 =	smov.u32 s14  }
0x1d: {  	s11 =	sadd.s32 $0x1, s11;
	[sflag:s15] =	ssyncadd.s32 @!p1 $0xFFFFE000;
	s10 =	smov.u32 s16  }
.LBB1_1:
0x1e: {  	p1 =	sge.u32 s11, s5  }
0x1f: {  	s14 =	sand.u32 @!p1 $0x1FFFFFF, s9  }
0x20: {  	s15 =	smulhi.u32 @!p1 $0x147AE15, s14;
	_ =	sdelay $0x1  }
0x21: {  	s15 =	smul.u32 @!p1 $0xC8, s15  }
0x22: {  	s16 =	sxor.u32 @!p1 $0xFFFFFFFF, s11;
	s17 =	smul.u32 @!p1 $0xC80, s10  }
0x23: {  	s31 =	sadd.s32 $0xFFFFFFFF, s11;
	s16 =	sshll.u32 @!p1 s16, $0xD;
	s14 =	ssub.s32 @!p1 s14, s15  }
0x24: {  	s15 =	sand.u32 @!p1 $0x2000, s16;
	s16 =	sadd.s32 @!p1 s6, s17;
	s14 =	sshll.u32 @!p1 s14, $0x4  }
0x25: {  	s17 =	simm.s32 @!p1 $0x6400;
	s14 =	sadd.s32 @!p1 s14, s16;
	s16 =	simm.s32 @!p1 $0x40  }
0x26: {  	[tilespmem:s15], [sflag:$0x1] =	stream.strided.gather @!p1 [hbm4b:s14+s16], $0x2000, s17, s16, $0x38;
	[tilespmem:$0x8080] =	vst v63  }
0x27: {  	p1 =	sge.u32 s31, s5  }
.Ltmp2:
0x28: {  	_ = 	snop;
	(pc) =	sbr.rel @p1 .LBB1_5-.Ltmp2, $1  }
0x29: {  	_ =	sdelay $0x3  }
0x2a: {  	s14 =	simm.s32 $0x1  }
0x2b: {  	_ =	swait.ge [sflag:s4], $0x2000;
	s14 =	simm.s32 @!p0 $0x0  }
0x2c: {  	[sflag:s4] =	ssyncset.done $0x0;
	s15 =	sshll.u32 s14, $0xD  }
0x2d: {  	[sflag:s4] =	ssyncadd.s32 $0xFFFFE000;
	s18 =	sor.u32 $0x20, s15  }
0x2e: {  	s14 =	smul.u32 $0x8100, s14;
	v3 =	vld [tilespmem:s18+$0x10]  }
0x2f: {  	s30 =	sand.u32 $0x1, s11;
	v2 =	vld [tilespmem:s18+$0xFFFFFFF0]  }
0x30: {  	s15 =	smul.u32 $0x8100, s30;
	s14 =	sshrl.u32 s14, $0x2;
	v0 =	vld [tilespmem:s18+$0x0]  }
0x31: {  	v1 =	vld [tilespmem:s18+$0xFFFFFFE0];
	s16 =	sor.u32 $0x4000, s14  }
0x32: {  	s31 =	sshrl.u32 s15, $0x2;
	s15 =	sadd.s32 $0x0, s16  }
0x33: {  	s17 =	simm.s32 $0x4;
	s18 =	sadd.s32 $0x40, s18;
	s14 =	sor.u32 $0x4000, s31;
	[tilespmem:s15+$0x1830 ss:$0x81] =	vst.msk $0xffff, v3  }
.LBB1_3:
0x34: {  	v3 =	vld [tilespmem:s18+$0x10];
	p1 =	sne.s32 s17, $0x1FC;
	[tilespmem:s15+$0x810 ss:$0x81] =	vst.msk $0xffff, v2;
	s19 =	smov.u32 s17;
	s17 =	sadd.s32 $0x4, s17  }
.Ltmp3:
0x35: {  	v2 =	vld [tilespmem:s18+$0xFFFFFFF0];
	[tilespmem:s15+$0x1020 ss:$0x81] =	vst.msk $0xffff, v0;
	(pc) =	sbr.rel @p1 .LBB1_3-.Ltmp3, $4  }
0x36: {  	v0 =	vld [tilespmem:s18+$0x0];
	[tilespmem:s15+$0x0 ss:$0x81] =	vst.msk $0xffff, v1  }
0x37: {  	s15 =	sshra.s32 s19, $0x2;
	v1 =	vld [tilespmem:s18+$0xFFFFFFE0]  }
0x38: {  	s15 =	sadd.s32 s15, s16  }
0x39: {  	s18 =	sadd.s32 $0x40, s18;
	[tilespmem:s15+$0x1830 ss:$0x81] =	vst.msk $0xffff, v3  }
.Ltmp4:
0x3a: {  	_ = 	snop;
	(pc) =	sbr.rel .LBB1_4-.Ltmp4, $1  }
0x3b: {  	_ =	sdelay $0x3  }
.LBB1_6:
0x3c: {  	_ =	sfence.sel $0x180000  }
0x3d: {  	s2 =	simm.s32 $0x1;
	[bflag:$0x0] =	sbarrier.arrive $0xFFFF  }
0x3e: {  	s31 =	simm.s32 $0x2;
	[sflag:s2] =	ssyncpa.u1 $0x1  }
0x3f: {  	[sflag:s31] =	ssyncpa.u1 $0x1  }
0x40: {  	p0 =	sne.s32 s0, $0x0;
	_ =	strace $0x9000004A  }
0x41: {  	s0 =	sadd.s32 @!p0 $0x100000, s1;
	[bflag:$0x2] =	sbarrier.arrive $0xFFFF  }
0x42: {  	[sflag:s0] =	ssyncadd.tile.s32 @!p0 $0x1;
	_ =	shalt  }
.Lfunc_end1:
_tile_overlayer_lowered:
.L_overlay_start_2:
0x43: {  	(tag) =	ssettag $0x2  }
0x44: {  	s0 =	rddreg [dreg:$0x0];
	s2 =	stileid.u32  }
0x45: {  	s1 =	rddreg [dreg:$0x1];
	p0 =	sne.s32 s2, $0x0  }
0x46: {  	s3 =	rddreg [dreg:$0x2];
	[bflag:$0x3] =	sbarrier.arrive $0xFFFF;
	s2 =	simm.s32 @!p0 $0x1C01  }
0x47: {  	[timem:s3], [sflag:s2] =	dma.local @!p0 [hbm:s0], s1  }
0x48: {  	s0 =	simm.s32 @!p0 $0x1  }
0x49: {  	_ =	swait.ge @!p0 [sflag:s0], s1  }
0x4a: {  	s1 =	ssub.s32 @!p0 $0x0, s1;
	[sflag:s0] =	ssyncset.done @!p0 $0x0  }
0x4b: {  	[sflag:s0] =	ssyncadd.s32 @!p0 s1  }
0x4c: {  	[bflag:$0x3] =	sbarrier.arrive $0xFFFF  }
0x4d: {  	_ =	shalt  }

</sc_bundles>
